<compile_context>
chip_gen: v7x
topology: tpu7x:2x2x1
jax: 0.10.2.dev20260603
libtpu: 0.0.44.dev20260713+nightly
codegen_flags: <defaults>
</compile_context>

<pallas_src>
import functools

import jax
import jax.numpy as jnp
from jax import lax
from jax.experimental import pallas as pl
from jax.experimental.pallas import tpu as pltpu
from jax.experimental.pallas import tpu_sc as plsc

VOCAB = 100000
EMBED = 100
SEQ = 200
BATCH = 4096

NC = 2
NS = 16
NW = NC * NS
BPW = BATCH // NW
TOK = BPW * SEQ
GCHUNK = 20

BV = 2000


def _rne16(x):
    return (x + jnp.uint32(0x7FFF) + ((x >> 16) & jnp.uint32(1))) >> 16


def _q_body(emb_ref, wt_ref, q_ref):
    wd = wt_ref[1] - wt_ref[0]
    r = lax.dot_general(
        emb_ref[...], wd, (((1,), (1,)), ((), ())),
        preferred_element_type=jnp.float32)
    lo = _rne16(lax.bitcast_convert_type(r[:, :128], jnp.uint32))
    hi = _rne16(lax.bitcast_convert_type(r[:, 128:], jnp.uint32))
    q_ref[...] = (hi << 16) | lo


def _build_q(emb_table, wt):
    wt_pad = jnp.concatenate(
        [wt, jnp.zeros((2, 256 - SEQ, EMBED), jnp.float32)], axis=1)
    return pl.pallas_call(
        _q_body,
        grid=(VOCAB // BV,),
        in_specs=[
            pl.BlockSpec((BV, EMBED), lambda i: (i, 0)),
            pl.BlockSpec((2, 256, EMBED), lambda i: (0, 0, 0)),
        ],
        out_specs=pl.BlockSpec((BV, 128), lambda i: (i, 0)),
        out_shape=jax.ShapeDtypeStruct((VOCAB, 128), jnp.uint32),
    )(emb_table, wt_pad)


def _sc_body(idx_hbm, q_hbm, d_hbm, idx_v, g_v, d_v, sem):
    wid = lax.axis_index("s") * NC + lax.axis_index("c")
    pltpu.sync_copy(idx_hbm.at[wid], idx_v)

    def burst(i, carry):
        g0 = i * GCHUNK
        handles = []
        for j in range(GCHUNK):
            g = g0 + j
            handles.append(pltpu.async_copy(
                q_hbm.at[idx_v.at[g]],
                g_v.at[pl.ds(g * BPW, BPW)],
                sem))
        for h in handles:
            h.wait()
        return carry

    lax.fori_loop(0, SEQ // GCHUNK, burst, 0)

    def red_lo(s, accs):
        base = s * BPW
        return tuple(
            a + lax.bitcast_convert_type(g_v[pl.ds(base + k * 16, 16)] << 16,
                                         jnp.float32)
            for k, a in enumerate(accs))

    def red_hi(s, accs):
        base = s * BPW
        return tuple(
            a + lax.bitcast_convert_type(
                g_v[pl.ds(base + k * 16, 16)] & jnp.uint32(0xFFFF0000),
                jnp.float32)
            for k, a in enumerate(accs))

    zeros = tuple(jnp.zeros((16,), jnp.float32) for _ in range(BPW // 16))
    accs = lax.fori_loop(0, 128, red_lo, zeros)
    accs = lax.fori_loop(128, SEQ, red_hi, accs)
    for k, a in enumerate(accs):
        d_v[pl.ds(k * 16, 16)] = a
    pltpu.sync_copy(d_v, d_hbm.at[pl.ds(wid * BPW, BPW)])


def _gather_reduce(idx_blocks, q_flat):
    mesh = plsc.VectorSubcoreMesh(core_axis_name="c", subcore_axis_name="s")
    kern = functools.partial(
        pl.kernel,
        out_type=jax.ShapeDtypeStruct((BATCH,), jnp.float32),
        mesh=mesh,
        scratch_types=[
            pltpu.VMEM((SEQ, BPW), jnp.int32),
            pltpu.VMEM((TOK,), jnp.uint32),
            pltpu.VMEM((BPW,), jnp.float32),
            pltpu.SemaphoreType.DMA,
        ],
    )(_sc_body)
    return kern(idx_blocks, q_flat)


def _fin_body(b_ref, d_ref, o0_ref, o1_ref):
    dd = d_ref[...] + (b_ref[1] - b_ref[0])
    t = jnp.log1p(jnp.exp(-jnp.abs(dd)))
    o0_ref[...] = -(jnp.maximum(dd, 0.0) + t)
    o1_ref[...] = -(jnp.maximum(-dd, 0.0) + t)


def _finalize(d, b):
    rows = BATCH // 128
    o0, o1 = pl.pallas_call(
        _fin_body,
        in_specs=[
            pl.BlockSpec(memory_space=pltpu.SMEM),
            pl.BlockSpec((rows, 128), lambda: (0, 0)),
        ],
        out_specs=[
            pl.BlockSpec((rows, 128), lambda: (0, 0)),
            pl.BlockSpec((rows, 128), lambda: (0, 0)),
        ],
        out_shape=[
            jax.ShapeDtypeStruct((rows, 128), jnp.float32),
            jax.ShapeDtypeStruct((rows, 128), jnp.float32),
        ],
    )(b, d.reshape(rows, 128))
    return jnp.stack([o0.reshape(-1), o1.reshape(-1)], axis=-1)


def kernel(input_data, emb_table, W, b):
    wt = W.T.reshape(2, SEQ, EMBED)
    s_ar = jnp.arange(SEQ, dtype=jnp.int32)[None, :]
    flat_idx = input_data.astype(jnp.int32) * 128 + (s_ar & 127)
    idx_blocks = flat_idx.reshape(NW, BPW, SEQ).transpose(0, 2, 1)

    q = _build_q(emb_table, wt)
    d = _gather_reduce(idx_blocks, q.reshape(VOCAB * 128))
    return _finalize(d, b)

# --- scband reference (transcript-rebuilt; emitter-appended) ---
"""Pipeline reference for scband-imdb-model-9929964388955 (READ-ONLY COPY).

The authoritative reference and input builder live on the scoring server;
editing this copy changes nothing except your own understanding.
"""

import jax, jax.numpy as jnp
import numpy as np

VOCAB = 100000
EMBED = 100
SEQ = 200
BATCH = 4096
PAD = 0
NUM_CLASSES = 2


def setup_inputs(seed: int = 0) -> dict:
    key = jax.random.key(seed)
    k1, k2, k3 = jax.random.split(key, 3)
    input_data = jax.random.randint(k1, (BATCH, SEQ), 0, VOCAB)
    emb_table = jax.random.normal(k2, (VOCAB, EMBED), dtype=jnp.float32)
    emb_table = emb_table.at[PAD].set(0.0)  # padding_idx row zeroed like nn.Embedding
    W = jax.random.normal(k3, (SEQ * EMBED, NUM_CLASSES), dtype=jnp.float32) * 0.01
    b = jnp.zeros((NUM_CLASSES,), dtype=jnp.float32)
    return {"input_data": input_data, "emb_table": emb_table, "W": W, "b": b}


def reference(input_data, emb_table, W, b):
    # input_embedding = self.embedding(input_data)
    x = jnp.take(emb_table, input_data, axis=0)  # [B, SEQ, EMBED]
    # input_embedding.view(B, -1)
    x = x.reshape(x.shape[0], -1)  # [B, SEQ*EMBED]
    # self.fc(...)
    out = x @ W + b  # [B, 2]
    # F.log_softmax(out, dim=-1)
    return jax.nn.log_softmax(out, axis=-1)

if __name__ == "__main__":
    import jax
    _d = setup_inputs()
    print(jax.jit(kernel)(*tuple(_d.values())))

</pallas_src>

<mosaic_0001>
#map = affine_map<(d0, d1) -> (0, 0, 0)>
#map1 = affine_map<(d0, d1) -> (0)>
module attributes {stable_mosaic.version = 14 : i64} {
  func.func @_sc_body(%arg0: i32, %arg1: i32, %arg2: memref<32x200x128xi32, #tpu.memory_space<hbm>>, %arg3: memref<12800000xi32, #tpu.memory_space<hbm>>, %arg4: memref<4096xf32, #tpu.memory_space<hbm>>, %arg5: memref<200x128xi32, #tpu.memory_space<vmem>>, %arg6: memref<25600xi32, #tpu.memory_space<vmem>>, %arg7: memref<128xf32, #tpu.memory_space<vmem>>, %arg8: memref<!tpu.dma_semaphore, #tpu.memory_space<semaphore_mem>>) attributes {dimension_semantics = [#tpu.dimension_semantics<core_parallel>, #tpu.dimension_semantics<subcore_parallel>], iteration_bounds = array<i64: 2, 16>, scalar_prefetch = 0 : i64, scratch_operands = 4 : i64, tpu.core_type = #tpu.core_type<sc_vector_subcore>, window_params = [{transform_indices = #map}, {transform_indices = #map1}, {transform_indices = #map1}]} {
    %mul3A = arith.constant 2 : i32
    %mul3A_0 = arith.muli %arg1, %mul3A : i32
    %add3A = arith.addi %mul3A_0, %arg0 : i32
    "tpu.region"() ({
      %run_scoped3A = tpu.sem_alloc : memref<!tpu.dma_semaphore, #tpu.memory_space<semaphore_mem>>
      %dma_start3A = arith.constant 0 : i32
      %dma_start3A_66 = arith.constant 0 : i32
      %dma_start3A_67 = tpu.memref_slice %arg2[%add3A, %dma_start3A, %dma_start3A_66] : memref<32x200x128xi32, #tpu.memory_space<hbm>> -> memref<1x200x128xi32, #tpu.memory_space<hbm>>
      %dma_start3A_68 = tpu.memref_squeeze %dma_start3A_67 : memref<1x200x128xi32, #tpu.memory_space<hbm>> -> memref<200x128xi32, #tpu.memory_space<hbm>>
      %dma_start3A_69 = arith.constant 0 : i32
      %dma_start3A_70 = arith.constant 0 : i32
      %dma_start3A_71 = tpu.memref_slice %arg2[%add3A, %dma_start3A_69, %dma_start3A_70] : memref<32x200x128xi32, #tpu.memory_space<hbm>> -> memref<1x200x128xi32, #tpu.memory_space<hbm>>
      %dma_start3A_72 = tpu.memref_squeeze %dma_start3A_71 : memref<1x200x128xi32, #tpu.memory_space<hbm>> -> memref<200x128xi32, #tpu.memory_space<hbm>>
      tpu.enqueue_dma source(%dma_start3A_72 : memref<200x128xi32, #tpu.memory_space<hbm>>) target(%arg5 : memref<200x128xi32, #tpu.memory_space<vmem>>) target_semaphore(%run_scoped3A : memref<!tpu.dma_semaphore, #tpu.memory_space<semaphore_mem>>)
      %dma_wait3A = arith.constant 0 : i32
      %dma_wait3A_73 = arith.constant 0 : i32
      %dma_wait3A_74 = tpu.memref_slice %arg2[%add3A, %dma_wait3A, %dma_wait3A_73] : memref<32x200x128xi32, #tpu.memory_space<hbm>> -> memref<1x200x128xi32, #tpu.memory_space<hbm>>
      %dma_wait3A_75 = tpu.memref_squeeze %dma_wait3A_74 : memref<1x200x128xi32, #tpu.memory_space<hbm>> -> memref<200x128xi32, #tpu.memory_space<hbm>>
      %dma_wait3A_76 = arith.constant 0 : i32
      %dma_wait3A_77 = arith.constant 0 : i32
      %dma_wait3A_78 = tpu.memref_slice %arg2[%add3A, %dma_wait3A_76, %dma_wait3A_77] : memref<32x200x128xi32, #tpu.memory_space<hbm>> -> memref<1x200x128xi32, #tpu.memory_space<hbm>>
      %dma_wait3A_79 = tpu.memref_squeeze %dma_wait3A_78 : memref<1x200x128xi32, #tpu.memory_space<hbm>> -> memref<200x128xi32, #tpu.memory_space<hbm>>
      tpu.wait_dma2 semaphore(%run_scoped3A : memref<!tpu.dma_semaphore, #tpu.memory_space<semaphore_mem>>) src(%dma_wait3A_79 : memref<200x128xi32, #tpu.memory_space<hbm>>) dst(%arg5 : memref<200x128xi32, #tpu.memory_space<vmem>>)
      tpu.yield
    }) : () -> ()
    %scan3A = arith.constant 0 : i32
    %scan3A_1 = arith.constant 0 : i32
    %scan3A_2 = arith.constant 10 : i32
    %scan3A_3 = arith.addi %scan3A_1, %scan3A_2 : i32
    %scan3A_4 = arith.constant 1 : i32
    scf.for %scan3A_66 = %scan3A_1 to %scan3A_3 step %scan3A_4  : i32 {
      %mul3A_67 = arith.constant 20 : i32
      %mul3A_68 = arith.muli %scan3A_66, %mul3A_67 : i32
      %add3A_69 = arith.constant 0 : i32
      %add3A_70 = arith.addi %mul3A_68, %add3A_69 : i32
      %mul3A_71 = arith.constant 128 : i32
      %mul3A_72 = arith.muli %add3A_70, %mul3A_71 : i32
      %dma_start3A = tpu.memref_slice %arg6[%mul3A_72] : memref<25600xi32, #tpu.memory_space<vmem>> -> memref<128xi32, #tpu.memory_space<vmem>>
      %dma_start3A_73 = arith.constant 0 : i32
      %dma_start3A_74 = tpu.memref_slice %arg5[%add3A_70, %dma_start3A_73] : memref<200x128xi32, #tpu.memory_space<vmem>> -> memref<1x128xi32, #tpu.memory_space<vmem>>
      %dma_start3A_75 = tpu.memref_squeeze %dma_start3A_74 : memref<1x128xi32, #tpu.memory_space<vmem>> -> memref<128xi32, #tpu.memory_space<vmem>>
      %dma_start3A_76 = arith.constant 0 : i32
      %dma_start3A_77 = tpu.memref_slice %arg3[%dma_start3A_76] : memref<12800000xi32, #tpu.memory_space<hbm>> -> memref<12800000xi32, #tpu.memory_space<hbm>>
      tpu.enqueue_indirect_dma source(%dma_start3A_77 : memref<12800000xi32, #tpu.memory_space<hbm>>) target(%dma_start3A : memref<128xi32, #tpu.memory_space<vmem>>) offsets(%dma_start3A_75 : memref<128xi32, #tpu.memory_space<vmem>>) semaphore(%arg8 : memref<!tpu.dma_semaphore, #tpu.memory_space<semaphore_mem>>)
      %add3A_78 = arith.constant 1 : i32
      %add3A_79 = arith.addi %mul3A_68, %add3A_78 : i32
      %mul3A_80 = arith.constant 128 : i32
      %mul3A_81 = arith.muli %add3A_79, %mul3A_80 : i32
      %dma_start3A_82 = tpu.memref_slice %arg6[%mul3A_81] : memref<25600xi32, #tpu.memory_space<vmem>> -> memref<128xi32, #tpu.memory_space<vmem>>
      %dma_start3A_83 = arith.constant 0 : i32
      %dma_start3A_84 = tpu.memref_slice %arg5[%add3A_79, %dma_start3A_83] : memref<200x128xi32, #tpu.memory_space<vmem>> -> memref<1x128xi32, #tpu.memory_space<vmem>>
      %dma_start3A_85 = tpu.memref_squeeze %dma_start3A_84 : memref<1x128xi32, #tpu.memory_space<vmem>> -> memref<128xi32, #tpu.memory_space<vmem>>
      %dma_start3A_86 = arith.constant 0 : i32
      %dma_start3A_87 = tpu.memref_slice %arg3[%dma_start3A_86] : memref<12800000xi32, #tpu.memory_space<hbm>> -> memref<12800000xi32, #tpu.memory_space<hbm>>
      tpu.enqueue_indirect_dma source(%dma_start3A_87 : memref<12800000xi32, #tpu.memory_space<hbm>>) target(%dma_start3A_82 : memref<128xi32, #tpu.memory_space<vmem>>) offsets(%dma_start3A_85 : memref<128xi32, #tpu.memory_space<vmem>>) semaphore(%arg8 : memref<!tpu.dma_semaphore, #tpu.memory_space<semaphore_mem>>)
      %add3A_88 = arith.constant 2 : i32
      %add3A_89 = arith.addi %mul3A_68, %add3A_88 : i32
      %mul3A_90 = arith.constant 128 : i32
      %mul3A_91 = arith.muli %add3A_89, %mul3A_90 : i32
      %dma_start3A_92 = tpu.memref_slice %arg6[%mul3A_91] : memref<25600xi32, #tpu.memory_space<vmem>> -> memref<128xi32, #tpu.memory_space<vmem>>
      %dma_start3A_93 = arith.constant 0 : i32
      %dma_start3A_94 = tpu.memref_slice %arg5[%add3A_89, %dma_start3A_93] : memref<200x128xi32, #tpu.memory_space<vmem>> -> memref<1x128xi32, #tpu.memory_space<vmem>>
      %dma_start3A_95 = tpu.memref_squeeze %dma_start3A_94 : memref<1x128xi32, #tpu.memory_space<vmem>> -> memref<128xi32, #tpu.memory_space<vmem>>
      %dma_start3A_96 = arith.constant 0 : i32
      %dma_start3A_97 = tpu.memref_slice %arg3[%dma_start3A_96] : memref<12800000xi32, #tpu.memory_space<hbm>> -> memref<12800000xi32, #tpu.memory_space<hbm>>
      tpu.enqueue_indirect_dma source(%dma_start3A_97 : memref<12800000xi32, #tpu.memory_space<hbm>>) target(%dma_start3A_92 : memref<128xi32, #tpu.memory_space<vmem>>) offsets(%dma_start3A_95 : memref<128xi32, #tpu.memory_space<vmem>>) semaphore(%arg8 : memref<!tpu.dma_semaphore, #tpu.memory_space<semaphore_mem>>)
      %add3A_98 = arith.constant 3 : i32
      %add3A_99 = arith.addi %mul3A_68, %add3A_98 : i32
      %mul3A_100 = arith.constant 128 : i32
      %mul3A_101 = arith.muli %add3A_99, %mul3A_100 : i32
      %dma_start3A_102 = tpu.memref_slice %arg6[%mul3A_101] : memref<25600xi32, #tpu.memory_space<vmem>> -> memref<128xi32, #tpu.memory_space<vmem>>
      %dma_start3A_103 = arith.constant 0 : i32
      %dma_start3A_104 = tpu.memref_slice %arg5[%add3A_99, %dma_start3A_103] : memref<200x128xi32, #tpu.memory_space<vmem>> -> memref<1x128xi32, #tpu.memory_space<vmem>>
      %dma_start3A_105 = tpu.memref_squeeze %dma_start3A_104 : memref<1x128xi32, #tpu.memory_space<vmem>> -> memref<128xi32, #tpu.memory_space<vmem>>
      %dma_start3A_106 = arith.constant 0 : i32
      %dma_start3A_107 = tpu.memref_slice %arg3[%dma_start3A_106] : memref<12800000xi32, #tpu.memory_space<hbm>> -> memref<12800000xi32, #tpu.memory_space<hbm>>
      tpu.enqueue_indirect_dma source(%dma_start3A_107 : memref<12800000xi32, #tpu.memory_space<hbm>>) target(%dma_start3A_102 : memref<128xi32, #tpu.memory_space<vmem>>) offsets(%dma_start3A_105 : memref<128xi32, #tpu.memory_space<vmem>>) semaphore(%arg8 : memref<!tpu.dma_semaphore, #tpu.memory_space<semaphore_mem>>)
      %add3A_108 = arith.constant 4 : i32
      %add3A_109 = arith.addi %mul3A_68, %add3A_108 : i32
      %mul3A_110 = arith.constant 128 : i32
      %mul3A_111 = arith.muli %add3A_109, %mul3A_110 : i32
      %dma_start3A_112 = tpu.memref_slice %arg6[%mul3A_111] : memref<25600xi32, #tpu.memory_space<vmem>> -> memref<128xi32, #tpu.memory_space<vmem>>
      %dma_start3A_113 = arith.constant 0 : i32
      %dma_start3A_114 = tpu.memref_slice %arg5[%add3A_109, %dma_start3A_113] : memref<200x128xi32, #tpu.memory_space<vmem>> -> memref<1x128xi32, #tpu.memory_space<vmem>>
      %dma_start3A_115 = tpu.memref_squeeze %dma_start3A_114 : memref<1x128xi32, #tpu.memory_space<vmem>> -> memref<128xi32, #tpu.memory_space<vmem>>
      %dma_start3A_116 = arith.constant 0 : i32
      %dma_start3A_117 = tpu.memref_slice %arg3[%dma_start3A_116] : memref<12800000xi32, #tpu.memory_space<hbm>> -> memref<12800000xi32, #tpu.memory_space<hbm>>
      tpu.enqueue_indirect_dma source(%dma_start3A_117 : memref<12800000xi32, #tpu.memory_space<hbm>>) target(%dma_start3A_112 : memref<128xi32, #tpu.memory_space<vmem>>) offsets(%dma_start3A_115 : memref<128xi32, #tpu.memory_space<vmem>>) semaphore(%arg8 : memref<!tpu.dma_semaphore, #tpu.memory_space<semaphore_mem>>)
      %add3A_118 = arith.constant 5 : i32
      %add3A_119 = arith.addi %mul3A_68, %add3A_118 : i32
      %mul3A_120 = arith.constant 128 : i32
      %mul3A_121 = arith.muli %add3A_119, %mul3A_120 : i32
      %dma_start3A_122 = tpu.memref_slice %arg6[%mul3A_121] : memref<25600xi32, #tpu.memory_space<vmem>> -> memref<128xi32, #tpu.memory_space<vmem>>
      %dma_start3A_123 = arith.constant 0 : i32
      %dma_start3A_124 = tpu.memref_slice %arg5[%add3A_119, %dma_start3A_123] : memref<200x128xi32, #tpu.memory_space<vmem>> -> memref<1x128xi32, #tpu.memory_space<vmem>>
      %dma_start3A_125 = tpu.memref_squeeze %dma_start3A_124 : memref<1x128xi32, #tpu.memory_space<vmem>> -> memref<128xi32, #tpu.memory_space<vmem>>
      %dma_start3A_126 = arith.constant 0 : i32
      %dma_start3A_127 = tpu.memref_slice %arg3[%dma_start3A_126] : memref<12800000xi32, #tpu.memory_space<hbm>> -> memref<12800000xi32, #tpu.memory_space<hbm>>
      tpu.enqueue_indirect_dma source(%dma_start3A_127 : memref<12800000xi32, #tpu.memory_space<hbm>>) target(%dma_start3A_122 : memref<128xi32, #tpu.memory_space<vmem>>) offsets(%dma_start3A_125 : memref<128xi32, #tpu.memory_space<vmem>>) semaphore(%arg8 : memref<!tpu.dma_semaphore, #tpu.memory_space<semaphore_mem>>)
      %add3A_128 = arith.constant 6 : i32
      %add3A_129 = arith.addi %mul3A_68, %add3A_128 : i32
      %mul3A_130 = arith.constant 128 : i32
      %mul3A_131 = arith.muli %add3A_129, %mul3A_130 : i32
      %dma_start3A_132 = tpu.memref_slice %arg6[%mul3A_131] : memref<25600xi32, #tpu.memory_space<vmem>> -> memref<128xi32, #tpu.memory_space<vmem>>
      %dma_start3A_133 = arith.constant 0 : i32
      %dma_start3A_134 = tpu.memref_slice %arg5[%add3A_129, %dma_start3A_133] : memref<200x128xi32, #tpu.memory_space<vmem>> -> memref<1x128xi32, #tpu.memory_space<vmem>>
      %dma_start3A_135 = tpu.memref_squeeze %dma_start3A_134 : memref<1x128xi32, #tpu.memory_space<vmem>> -> memref<128xi32, #tpu.memory_space<vmem>>
      %dma_start3A_136 = arith.constant 0 : i32
      %dma_start3A_137 = tpu.memref_slice %arg3[%dma_start3A_136] : memref<12800000xi32, #tpu.memory_space<hbm>> -> memref<12800000xi32, #tpu.memory_space<hbm>>
      tpu.enqueue_indirect_dma source(%dma_start3A_137 : memref<12800000xi32, #tpu.memory_space<hbm>>) target(%dma_start3A_132 : memref<128xi32, #tpu.memory_space<vmem>>) offsets(%dma_start3A_135 : memref<128xi32, #tpu.memory_space<vmem>>) semaphore(%arg8 : memref<!tpu.dma_semaphore, #tpu.memory_space<semaphore_mem>>)
      %add3A_138 = arith.constant 7 : i32
      %add3A_139 = arith.addi %mul3A_68, %add3A_138 : i32
      %mul3A_140 = arith.constant 128 : i32
      %mul3A_141 = arith.muli %add3A_139, %mul3A_140 : i32
      %dma_start3A_142 = tpu.memref_slice %arg6[%mul3A_141] : memref<25600xi32, #tpu.memory_space<vmem>> -> memref<128xi32, #tpu.memory_space<vmem>>
      %dma_start3A_143 = arith.constant 0 : i32
      %dma_start3A_144 = tpu.memref_slice %arg5[%add3A_139, %dma_start3A_143] : memref<200x128xi32, #tpu.memory_space<vmem>> -> memref<1x128xi32, #tpu.memory_space<vmem>>
      %dma_start3A_145 = tpu.memref_squeeze %dma_start3A_144 : memref<1x128xi32, #tpu.memory_space<vmem>> -> memref<128xi32, #tpu.memory_space<vmem>>
      %dma_start3A_146 = arith.constant 0 : i32
      %dma_start3A_147 = tpu.memref_slice %arg3[%dma_start3A_146] : memref<12800000xi32, #tpu.memory_space<hbm>> -> memref<12800000xi32, #tpu.memory_space<hbm>>
      tpu.enqueue_indirect_dma source(%dma_start3A_147 : memref<12800000xi32, #tpu.memory_space<hbm>>) target(%dma_start3A_142 : memref<128xi32, #tpu.memory_space<vmem>>) offsets(%dma_start3A_145 : memref<128xi32, #tpu.memory_space<vmem>>) semaphore(%arg8 : memref<!tpu.dma_semaphore, #tpu.memory_space<semaphore_mem>>)
      %add3A_148 = arith.constant 8 : i32
      %add3A_149 = arith.addi %mul3A_68, %add3A_148 : i32
      %mul3A_150 = arith.constant 128 : i32
      %mul3A_151 = arith.muli %add3A_149, %mul3A_150 : i32
      %dma_start3A_152 = tpu.memref_slice %arg6[%mul3A_151] : memref<25600xi32, #tpu.memory_space<vmem>> -> memref<128xi32, #tpu.memory_space<vmem>>
      %dma_start3A_153 = arith.constant 0 : i32
      %dma_start3A_154 = tpu.memref_slice %arg5[%add3A_149, %dma_start3A_153] : memref<200x128xi32, #tpu.memory_space<vmem>> -> memref<1x128xi32, #tpu.memory_space<vmem>>
      %dma_start3A_155 = tpu.memref_squeeze %dma_start3A_154 : memref<1x128xi32, #tpu.memory_space<vmem>> -> memref<128xi32, #tpu.memory_space<vmem>>
      %dma_start3A_156 = arith.constant 0 : i32
      %dma_start3A_157 = tpu.memref_slice %arg3[%dma_start3A_156] : memref<12800000xi32, #tpu.memory_space<hbm>> -> memref<12800000xi32, #tpu.memory_space<hbm>>
      tpu.enqueue_indirect_dma source(%dma_start3A_157 : memref<12800000xi32, #tpu.memory_space<hbm>>) target(%dma_start3A_152 : memref<128xi32, #tpu.memory_space<vmem>>) offsets(%dma_start3A_155 : memref<128xi32, #tpu.memory_space<vmem>>) semaphore(%arg8 : memref<!tpu.dma_semaphore, #tpu.memory_space<semaphore_mem>>)
      %add3A_158 = arith.constant 9 : i32
      %add3A_159 = arith.addi %mul3A_68, %add3A_158 : i32
      %mul3A_160 = arith.constant 128 : i32
      %mul3A_161 = arith.muli %add3A_159, %mul3A_160 : i32
      %dma_start3A_162 = tpu.memref_slice %arg6[%mul3A_161] : memref<25600xi32, #tpu.memory_space<vmem>> -> memref<128xi32, #tpu.memory_space<vmem>>
      %dma_start3A_163 = arith.constant 0 : i32
      %dma_start3A_164 = tpu.memref_slice %arg5[%add3A_159, %dma_start3A_163] : memref<200x128xi32, #tpu.memory_space<vmem>> -> memref<1x128xi32, #tpu.memory_space<vmem>>
      %dma_start3A_165 = tpu.memref_squeeze %dma_start3A_164 : memref<1x128xi32, #tpu.memory_space<vmem>> -> memref<128xi32, #tpu.memory_space<vmem>>
      %dma_start3A_166 = arith.constant 0 : i32
      %dma_start3A_167 = tpu.memref_slice %arg3[%dma_start3A_166] : memref<12800000xi32, #tpu.memory_space<hbm>> -> memref<12800000xi32, #tpu.memory_space<hbm>>
      tpu.enqueue_indirect_dma source(%dma_start3A_167 : memref<12800000xi32, #tpu.memory_space<hbm>>) target(%dma_start3A_162 : memref<128xi32, #tpu.memory_space<vmem>>) offsets(%dma_start3A_165 : memref<128xi32, #tpu.memory_space<vmem>>) semaphore(%arg8 : memref<!tpu.dma_semaphore, #tpu.memory_space<semaphore_mem>>)
      %add3A_168 = arith.constant 10 : i32
      %add3A_169 = arith.addi %mul3A_68, %add3A_168 : i32
      %mul3A_170 = arith.constant 128 : i32
      %mul3A_171 = arith.muli %add3A_169, %mul3A_170 : i32
      %dma_start3A_172 = tpu.memref_slice %arg6[%mul3A_171] : memref<25600xi32, #tpu.memory_space<vmem>> -> memref<128xi32, #tpu.memory_space<vmem>>
      %dma_start3A_173 = arith.constant 0 : i32
      %dma_start3A_174 = tpu.memref_slice %arg5[%add3A_169, %dma_start3A_173] : memref<200x128xi32, #tpu.memory_space<vmem>> -> memref<1x128xi32, #tpu.memory_space<vmem>>
      %dma_start3A_175 = tpu.memref_squeeze %dma_start3A_174 : memref<1x128xi32, #tpu.memory_space<vmem>> -> memref<128xi32, #tpu.memory_space<vmem>>
      %dma_start3A_176 = arith.constant 0 : i32
      %dma_start3A_177 = tpu.memref_slice %arg3[%dma_start3A_176] : memref<12800000xi32, #tpu.memory_space<hbm>> -> memref<12800000xi32, #tpu.memory_space<hbm>>
      tpu.enqueue_indirect_dma source(%dma_start3A_177 : memref<12800000xi32, #tpu.memory_space<hbm>>) target(%dma_start3A_172 : memref<128xi32, #tpu.memory_space<vmem>>) offsets(%dma_start3A_175 : memref<128xi32, #tpu.memory_space<vmem>>) semaphore(%arg8 : memref<!tpu.dma_semaphore, #tpu.memory_space<semaphore_mem>>)
      %add3A_178 = arith.constant 11 : i32
      %add3A_179 = arith.addi %mul3A_68, %add3A_178 : i32
      %mul3A_180 = arith.constant 128 : i32
      %mul3A_181 = arith.muli %add3A_179, %mul3A_180 : i32
      %dma_start3A_182 = tpu.memref_slice %arg6[%mul3A_181] : memref<25600xi32, #tpu.memory_space<vmem>> -> memref<128xi32, #tpu.memory_space<vmem>>
      %dma_start3A_183 = arith.constant 0 : i32
      %dma_start3A_184 = tpu.memref_slice %arg5[%add3A_179, %dma_start3A_183] : memref<200x128xi32, #tpu.memory_space<vmem>> -> memref<1x128xi32, #tpu.memory_space<vmem>>
      %dma_start3A_185 = tpu.memref_squeeze %dma_start3A_184 : memref<1x128xi32, #tpu.memory_space<vmem>> -> memref<128xi32, #tpu.memory_space<vmem>>
      %dma_start3A_186 = arith.constant 0 : i32
      %dma_start3A_187 = tpu.memref_slice %arg3[%dma_start3A_186] : memref<12800000xi32, #tpu.memory_space<hbm>> -> memref<12800000xi32, #tpu.memory_space<hbm>>
      tpu.enqueue_indirect_dma source(%dma_start3A_187 : memref<12800000xi32, #tpu.memory_space<hbm>>) target(%dma_start3A_182 : memref<128xi32, #tpu.memory_space<vmem>>) offsets(%dma_start3A_185 : memref<128xi32, #tpu.memory_space<vmem>>) semaphore(%arg8 : memref<!tpu.dma_semaphore, #tpu.memory_space<semaphore_mem>>)
      %add3A_188 = arith.constant 12 : i32
      %add3A_189 = arith.addi %mul3A_68, %add3A_188 : i32
      %mul3A_190 = arith.constant 128 : i32
      %mul3A_191 = arith.muli %add3A_189, %mul3A_190 : i32
      %dma_start3A_192 = tpu.memref_slice %arg6[%mul3A_191] : memref<25600xi32, #tpu.memory_space<vmem>> -> memref<128xi32, #tpu.memory_space<vmem>>
      %dma_start3A_193 = arith.constant 0 : i32
      %dma_start3A_194 = tpu.memref_slice %arg5[%add3A_189, %dma_start3A_193] : memref<200x128xi32, #tpu.memory_space<vmem>> -> memref<1x128xi32, #tpu.memory_space<vmem>>
      %dma_start3A_195 = tpu.memref_squeeze %dma_start3A_194 : memref<1x128xi32, #tpu.memory_space<vmem>> -> memref<128xi32, #tpu.memory_space<vmem>>
      %dma_start3A_196 = arith.constant 0 : i32
      %dma_start3A_197 = tpu.memref_slice %arg3[%dma_start3A_196] : memref<12800000xi32, #tpu.memory_space<hbm>> -> memref<12800000xi32, #tpu.memory_space<hbm>>
      tpu.enqueue_indirect_dma source(%dma_start3A_197 : memref<12800000xi32, #tpu.memory_space<hbm>>) target(%dma_start3A_192 : memref<128xi32, #tpu.memory_space<vmem>>) offsets(%dma_start3A_195 : memref<128xi32, #tpu.memory_space<vmem>>) semaphore(%arg8 : memref<!tpu.dma_semaphore, #tpu.memory_space<semaphore_mem>>)
      %add3A_198 = arith.constant 13 : i32
      %add3A_199 = arith.addi %mul3A_68, %add3A_198 : i32
      %mul3A_200 = arith.constant 128 : i32
      %mul3A_201 = arith.muli %add3A_199, %mul3A_200 : i32
      %dma_start3A_202 = tpu.memref_slice %arg6[%mul3A_201] : memref<25600xi32, #tpu.memory_space<vmem>> -> memref<128xi32, #tpu.memory_space<vmem>>
      %dma_start3A_203 = arith.constant 0 : i32
      %dma_start3A_204 = tpu.memref_slice %arg5[%add3A_199, %dma_start3A_203] : memref<200x128xi32, #tpu.memory_space<vmem>> -> memref<1x128xi32, #tpu.memory_space<vmem>>
      %dma_start3A_205 = tpu.memref_squeeze %dma_start3A_204 : memref<1x128xi32, #tpu.memory_space<vmem>> -> memref<128xi32, #tpu.memory_space<vmem>>
      %dma_start3A_206 = arith.constant 0 : i32
      %dma_start3A_207 = tpu.memref_slice %arg3[%dma_start3A_206] : memref<12800000xi32, #tpu.memory_space<hbm>> -> memref<12800000xi32, #tpu.memory_space<hbm>>
      tpu.enqueue_indirect_dma source(%dma_start3A_207 : memref<12800000xi32, #tpu.memory_space<hbm>>) target(%dma_start3A_202 : memref<128xi32, #tpu.memory_space<vmem>>) offsets(%dma_start3A_205 : memref<128xi32, #tpu.memory_space<vmem>>) semaphore(%arg8 : memref<!tpu.dma_semaphore, #tpu.memory_space<semaphore_mem>>)
      %add3A_208 = arith.constant 14 : i32
      %add3A_209 = arith.addi %mul3A_68, %add3A_208 : i32
      %mul3A_210 = arith.constant 128 : i32
      %mul3A_211 = arith.muli %add3A_209, %mul3A_210 : i32
      %dma_start3A_212 = tpu.memref_slice %arg6[%mul3A_211] : memref<25600xi32, #tpu.memory_space<vmem>> -> memref<128xi32, #tpu.memory_space<vmem>>
      %dma_start3A_213 = arith.constant 0 : i32
      %dma_start3A_214 = tpu.memref_slice %arg5[%add3A_209, %dma_start3A_213] : memref<200x128xi32, #tpu.memory_space<vmem>> -> memref<1x128xi32, #tpu.memory_space<vmem>>
      %dma_start3A_215 = tpu.memref_squeeze %dma_start3A_214 : memref<1x128xi32, #tpu.memory_space<vmem>> -> memref<128xi32, #tpu.memory_space<vmem>>
      %dma_start3A_216 = arith.constant 0 : i32
      %dma_start3A_217 = tpu.memref_slice %arg3[%dma_start3A_216] : memref<12800000xi32, #tpu.memory_space<hbm>> -> memref<12800000xi32, #tpu.memory_space<hbm>>
      tpu.enqueue_indirect_dma source(%dma_start3A_217 : memref<12800000xi32, #tpu.memory_space<hbm>>) target(%dma_start3A_212 : memref<128xi32, #tpu.memory_space<vmem>>) offsets(%dma_start3A_215 : memref<128xi32, #tpu.memory_space<vmem>>) semaphore(%arg8 : memref<!tpu.dma_semaphore, #tpu.memory_space<semaphore_mem>>)
      %add3A_218 = arith.constant 15 : i32
      %add3A_219 = arith.addi %mul3A_68, %add3A_218 : i32
      %mul3A_220 = arith.constant 128 : i32
      %mul3A_221 = arith.muli %add3A_219, %mul3A_220 : i32
      %dma_start3A_222 = tpu.memref_slice %arg6[%mul3A_221] : memref<25600xi32, #tpu.memory_space<vmem>> -> memref<128xi32, #tpu.memory_space<vmem>>
      %dma_start3A_223 = arith.constant 0 : i32
      %dma_start3A_224 = tpu.memref_slice %arg5[%add3A_219, %dma_start3A_223] : memref<200x128xi32, #tpu.memory_space<vmem>> -> memref<1x128xi32, #tpu.memory_space<vmem>>
      %dma_start3A_225 = tpu.memref_squeeze %dma_start3A_224 : memref<1x128xi32, #tpu.memory_space<vmem>> -> memref<128xi32, #tpu.memory_space<vmem>>
      %dma_start3A_226 = arith.constant 0 : i32
      %dma_start3A_227 = tpu.memref_slice %arg3[%dma_start3A_226] : memref<12800000xi32, #tpu.memory_space<hbm>> -> memref<12800000xi32, #tpu.memory_space<hbm>>
      tpu.enqueue_indirect_dma source(%dma_start3A_227 : memref<12800000xi32, #tpu.memory_space<hbm>>) target(%dma_start3A_222 : memref<128xi32, #tpu.memory_space<vmem>>) offsets(%dma_start3A_225 : memref<128xi32, #tpu.memory_space<vmem>>) semaphore(%arg8 : memref<!tpu.dma_semaphore, #tpu.memory_space<semaphore_mem>>)
      %add3A_228 = arith.constant 16 : i32
      %add3A_229 = arith.addi %mul3A_68, %add3A_228 : i32
      %mul3A_230 = arith.constant 128 : i32
      %mul3A_231 = arith.muli %add3A_229, %mul3A_230 : i32
      %dma_start3A_232 = tpu.memref_slice %arg6[%mul3A_231] : memref<25600xi32, #tpu.memory_space<vmem>> -> memref<128xi32, #tpu.memory_space<vmem>>
      %dma_start3A_233 = arith.constant 0 : i32
      %dma_start3A_234 = tpu.memref_slice %arg5[%add3A_229, %dma_start3A_233] : memref<200x128xi32, #tpu.memory_space<vmem>> -> memref<1x128xi32, #tpu.memory_space<vmem>>
      %dma_start3A_235 = tpu.memref_squeeze %dma_start3A_234 : memref<1x128xi32, #tpu.memory_space<vmem>> -> memref<128xi32, #tpu.memory_space<vmem>>
      %dma_start3A_236 = arith.constant 0 : i32
      %dma_start3A_237 = tpu.memref_slice %arg3[%dma_start3A_236] : memref<12800000xi32, #tpu.memory_space<hbm>> -> memref<12800000xi32, #tpu.memory_space<hbm>>
      tpu.enqueue_indirect_dma source(%dma_start3A_237 : memref<12800000xi32, #tpu.memory_space<hbm>>) target(%dma_start3A_232 : memref<128xi32, #tpu.memory_space<vmem>>) offsets(%dma_start3A_235 : memref<128xi32, #tpu.memory_space<vmem>>) semaphore(%arg8 : memref<!tpu.dma_semaphore, #tpu.memory_space<semaphore_mem>>)
      %add3A_238 = arith.constant 17 : i32
      %add3A_239 = arith.addi %mul3A_68, %add3A_238 : i32
      %mul3A_240 = arith.constant 128 : i32
      %mul3A_241 = arith.muli %add3A_239, %mul3A_240 : i32
      %dma_start3A_242 = tpu.memref_slice %arg6[%mul3A_241] : memref<25600xi32, #tpu.memory_space<vmem>> -> memref<128xi32, #tpu.memory_space<vmem>>
      %dma_start3A_243 = arith.constant 0 : i32
      %dma_start3A_244 = tpu.memref_slice %arg5[%add3A_239, %dma_start3A_243] : memref<200x128xi32, #tpu.memory_space<vmem>> -> memref<1x128xi32, #tpu.memory_space<vmem>>
      %dma_start3A_245 = tpu.memref_squeeze %dma_start3A_244 : memref<1x128xi32, #tpu.memory_space<vmem>> -> memref<128xi32, #tpu.memory_space<vmem>>
      %dma_start3A_246 = arith.constant 0 : i32
      %dma_start3A_247 = tpu.memref_slice %arg3[%dma_start3A_246] : memref<12800000xi32, #tpu.memory_space<hbm>> -> memref<12800000xi32, #tpu.memory_space<hbm>>
      tpu.enqueue_indirect_dma source(%dma_start3A_247 : memref<12800000xi32, #tpu.memory_space<hbm>>) target(%dma_start3A_242 : memref<128xi32, #tpu.memory_space<vmem>>) offsets(%dma_start3A_245 : memref<128xi32, #tpu.memory_space<vmem>>) semaphore(%arg8 : memref<!tpu.dma_semaphore, #tpu.memory_space<semaphore_mem>>)
      %add3A_248 = arith.constant 18 : i32
      %add3A_249 = arith.addi %mul3A_68, %add3A_248 : i32
      %mul3A_250 = arith.constant 128 : i32
      %mul3A_251 = arith.muli %add3A_249, %mul3A_250 : i32
      %dma_start3A_252 = tpu.memref_slice %arg6[%mul3A_251] : memref<25600xi32, #tpu.memory_space<vmem>> -> memref<128xi32, #tpu.memory_space<vmem>>
      %dma_start3A_253 = arith.constant 0 : i32
      %dma_start3A_254 = tpu.memref_slice %arg5[%add3A_249, %dma_start3A_253] : memref<200x128xi32, #tpu.memory_space<vmem>> -> memref<1x128xi32, #tpu.memory_space<vmem>>
      %dma_start3A_255 = tpu.memref_squeeze %dma_start3A_254 : memref<1x128xi32, #tpu.memory_space<vmem>> -> memref<128xi32, #tpu.memory_space<vmem>>
      %dma_start3A_256 = arith.constant 0 : i32
      %dma_start3A_257 = tpu.memref_slice %arg3[%dma_start3A_256] : memref<12800000xi32, #tpu.memory_space<hbm>> -> memref<12800000xi32, #tpu.memory_space<hbm>>
      tpu.enqueue_indirect_dma source(%dma_start3A_257 : memref<12800000xi32, #tpu.memory_space<hbm>>) target(%dma_start3A_252 : memref<128xi32, #tpu.memory_space<vmem>>) offsets(%dma_start3A_255 : memref<128xi32, #tpu.memory_space<vmem>>) semaphore(%arg8 : memref<!tpu.dma_semaphore, #tpu.memory_space<semaphore_mem>>)
      %add3A_258 = arith.constant 19 : i32
      %add3A_259 = arith.addi %mul3A_68, %add3A_258 : i32
      %mul3A_260 = arith.constant 128 : i32
      %mul3A_261 = arith.muli %add3A_259, %mul3A_260 : i32
      %dma_start3A_262 = tpu.memref_slice %arg6[%mul3A_261] : memref<25600xi32, #tpu.memory_space<vmem>> -> memref<128xi32, #tpu.memory_space<vmem>>
      %dma_start3A_263 = arith.constant 0 : i32
      %dma_start3A_264 = tpu.memref_slice %arg5[%add3A_259, %dma_start3A_263] : memref<200x128xi32, #tpu.memory_space<vmem>> -> memref<1x128xi32, #tpu.memory_space<vmem>>
      %dma_start3A_265 = tpu.memref_squeeze %dma_start3A_264 : memref<1x128xi32, #tpu.memory_space<vmem>> -> memref<128xi32, #tpu.memory_space<vmem>>
      %dma_start3A_266 = arith.constant 0 : i32
      %dma_start3A_267 = tpu.memref_slice %arg3[%dma_start3A_266] : memref<12800000xi32, #tpu.memory_space<hbm>> -> memref<12800000xi32, #tpu.memory_space<hbm>>
      tpu.enqueue_indirect_dma source(%dma_start3A_267 : memref<12800000xi32, #tpu.memory_space<hbm>>) target(%dma_start3A_262 : memref<128xi32, #tpu.memory_space<vmem>>) offsets(%dma_start3A_265 : memref<128xi32, #tpu.memory_space<vmem>>) semaphore(%arg8 : memref<!tpu.dma_semaphore, #tpu.memory_space<semaphore_mem>>)
      %dma_wait3A = tpu.memref_slice %arg6[%mul3A_72] : memref<25600xi32, #tpu.memory_space<vmem>> -> memref<128xi32, #tpu.memory_space<vmem>>
      %dma_wait3A_268 = arith.constant 0 : i32
      %dma_wait3A_269 = tpu.memref_slice %arg5[%add3A_70, %dma_wait3A_268] : memref<200x128xi32, #tpu.memory_space<vmem>> -> memref<1x128xi32, #tpu.memory_space<vmem>>
      %dma_wait3A_270 = tpu.memref_squeeze %dma_wait3A_269 : memref<1x128xi32, #tpu.memory_space<vmem>> -> memref<128xi32, #tpu.memory_space<vmem>>
      %dma_wait3A_271 = arith.constant 0 : i32
      %dma_wait3A_272 = tpu.memref_slice %arg3[%dma_wait3A_271] : memref<12800000xi32, #tpu.memory_space<hbm>> -> memref<12800000xi32, #tpu.memory_space<hbm>>
      tpu.wait_indirect_dma semaphore(%arg8 : memref<!tpu.dma_semaphore, #tpu.memory_space<semaphore_mem>>) src(%dma_wait3A_272 : memref<12800000xi32, #tpu.memory_space<hbm>>) dst(%dma_wait3A : memref<128xi32, #tpu.memory_space<vmem>>)
      %dma_wait3A_273 = tpu.memref_slice %arg6[%mul3A_81] : memref<25600xi32, #tpu.memory_space<vmem>> -> memref<128xi32, #tpu.memory_space<vmem>>
      %dma_wait3A_274 = arith.constant 0 : i32
      %dma_wait3A_275 = tpu.memref_slice %arg5[%add3A_79, %dma_wait3A_274] : memref<200x128xi32, #tpu.memory_space<vmem>> -> memref<1x128xi32, #tpu.memory_space<vmem>>
      %dma_wait3A_276 = tpu.memref_squeeze %dma_wait3A_275 : memref<1x128xi32, #tpu.memory_space<vmem>> -> memref<128xi32, #tpu.memory_space<vmem>>
      %dma_wait3A_277 = arith.constant 0 : i32
      %dma_wait3A_278 = tpu.memref_slice %arg3[%dma_wait3A_277] : memref<12800000xi32, #tpu.memory_space<hbm>> -> memref<12800000xi32, #tpu.memory_space<hbm>>
      tpu.wait_indirect_dma semaphore(%arg8 : memref<!tpu.dma_semaphore, #tpu.memory_space<semaphore_mem>>) src(%dma_wait3A_278 : memref<12800000xi32, #tpu.memory_space<hbm>>) dst(%dma_wait3A_273 : memref<128xi32, #tpu.memory_space<vmem>>)
      %dma_wait3A_279 = tpu.memref_slice %arg6[%mul3A_91] : memref<25600xi32, #tpu.memory_space<vmem>> -> memref<128xi32, #tpu.memory_space<vmem>>
      %dma_wait3A_280 = arith.constant 0 : i32
      %dma_wait3A_281 = tpu.memref_slice %arg5[%add3A_89, %dma_wait3A_280] : memref<200x128xi32, #tpu.memory_space<vmem>> -> memref<1x128xi32, #tpu.memory_space<vmem>>
      %dma_wait3A_282 = tpu.memref_squeeze %dma_wait3A_281 : memref<1x128xi32, #tpu.memory_space<vmem>> -> memref<128xi32, #tpu.memory_space<vmem>>
      %dma_wait3A_283 = arith.constant 0 : i32
      %dma_wait3A_284 = tpu.memref_slice %arg3[%dma_wait3A_283] : memref<12800000xi32, #tpu.memory_space<hbm>> -> memref<12800000xi32, #tpu.memory_space<hbm>>
      tpu.wait_indirect_dma semaphore(%arg8 : memref<!tpu.dma_semaphore, #tpu.memory_space<semaphore_mem>>) src(%dma_wait3A_284 : memref<12800000xi32, #tpu.memory_space<hbm>>) dst(%dma_wait3A_279 : memref<128xi32, #tpu.memory_space<vmem>>)
      %dma_wait3A_285 = tpu.memref_slice %arg6[%mul3A_101] : memref<25600xi32, #tpu.memory_space<vmem>> -> memref<128xi32, #tpu.memory_space<vmem>>
      %dma_wait3A_286 = arith.constant 0 : i32
      %dma_wait3A_287 = tpu.memref_slice %arg5[%add3A_99, %dma_wait3A_286] : memref<200x128xi32, #tpu.memory_space<vmem>> -> memref<1x128xi32, #tpu.memory_space<vmem>>
      %dma_wait3A_288 = tpu.memref_squeeze %dma_wait3A_287 : memref<1x128xi32, #tpu.memory_space<vmem>> -> memref<128xi32, #tpu.memory_space<vmem>>
      %dma_wait3A_289 = arith.constant 0 : i32
      %dma_wait3A_290 = tpu.memref_slice %arg3[%dma_wait3A_289] : memref<12800000xi32, #tpu.memory_space<hbm>> -> memref<12800000xi32, #tpu.memory_space<hbm>>
      tpu.wait_indirect_dma semaphore(%arg8 : memref<!tpu.dma_semaphore, #tpu.memory_space<semaphore_mem>>) src(%dma_wait3A_290 : memref<12800000xi32, #tpu.memory_space<hbm>>) dst(%dma_wait3A_285 : memref<128xi32, #tpu.memory_space<vmem>>)
      %dma_wait3A_291 = tpu.memref_slice %arg6[%mul3A_111] : memref<25600xi32, #tpu.memory_space<vmem>> -> memref<128xi32, #tpu.memory_space<vmem>>
      %dma_wait3A_292 = arith.constant 0 : i32
      %dma_wait3A_293 = tpu.memref_slice %arg5[%add3A_109, %dma_wait3A_292] : memref<200x128xi32, #tpu.memory_space<vmem>> -> memref<1x128xi32, #tpu.memory_space<vmem>>
      %dma_wait3A_294 = tpu.memref_squeeze %dma_wait3A_293 : memref<1x128xi32, #tpu.memory_space<vmem>> -> memref<128xi32, #tpu.memory_space<vmem>>
      %dma_wait3A_295 = arith.constant 0 : i32
      %dma_wait3A_296 = tpu.memref_slice %arg3[%dma_wait3A_295] : memref<12800000xi32, #tpu.memory_space<hbm>> -> memref<12800000xi32, #tpu.memory_space<hbm>>
      tpu.wait_indirect_dma semaphore(%arg8 : memref<!tpu.dma_semaphore, #tpu.memory_space<semaphore_mem>>) src(%dma_wait3A_296 : memref<12800000xi32, #tpu.memory_space<hbm>>) dst(%dma_wait3A_291 : memref<128xi32, #tpu.memory_space<vmem>>)
      %dma_wait3A_297 = tpu.memref_slice %arg6[%mul3A_121] : memref<25600xi32, #tpu.memory_space<vmem>> -> memref<128xi32, #tpu.memory_space<vmem>>
      %dma_wait3A_298 = arith.constant 0 : i32
      %dma_wait3A_299 = tpu.memref_slice %arg5[%add3A_119, %dma_wait3A_298] : memref<200x128xi32, #tpu.memory_space<vmem>> -> memref<1x128xi32, #tpu.memory_space<vmem>>
      %dma_wait3A_300 = tpu.memref_squeeze %dma_wait3A_299 : memref<1x128xi32, #tpu.memory_space<vmem>> -> memref<128xi32, #tpu.memory_space<vmem>>
      %dma_wait3A_301 = arith.constant 0 : i32
      %dma_wait3A_302 = tpu.memref_slice %arg3[%dma_wait3A_301] : memref<12800000xi32, #tpu.memory_space<hbm>> -> memref<12800000xi32, #tpu.memory_space<hbm>>
      tpu.wait_indirect_dma semaphore(%arg8 : memref<!tpu.dma_semaphore, #tpu.memory_space<semaphore_mem>>) src(%dma_wait3A_302 : memref<12800000xi32, #tpu.memory_space<hbm>>) dst(%dma_wait3A_297 : memref<128xi32, #tpu.memory_space<vmem>>)
      %dma_wait3A_303 = tpu.memref_slice %arg6[%mul3A_131] : memref<25600xi32, #tpu.memory_space<vmem>> -> memref<128xi32, #tpu.memory_space<vmem>>
      %dma_wait3A_304 = arith.constant 0 : i32
      %dma_wait3A_305 = tpu.memref_slice %arg5[%add3A_129, %dma_wait3A_304] : memref<200x128xi32, #tpu.memory_space<vmem>> -> memref<1x128xi32, #tpu.memory_space<vmem>>
      %dma_wait3A_306 = tpu.memref_squeeze %dma_wait3A_305 : memref<1x128xi32, #tpu.memory_space<vmem>> -> memref<128xi32, #tpu.memory_space<vmem>>
      %dma_wait3A_307 = arith.constant 0 : i32
      %dma_wait3A_308 = tpu.memref_slice %arg3[%dma_wait3A_307] : memref<12800000xi32, #tpu.memory_space<hbm>> -> memref<12800000xi32, #tpu.memory_space<hbm>>
      tpu.wait_indirect_dma semaphore(%arg8 : memref<!tpu.dma_semaphore, #tpu.memory_space<semaphore_mem>>) src(%dma_wait3A_308 : memref<12800000xi32, #tpu.memory_space<hbm>>) dst(%dma_wait3A_303 : memref<128xi32, #tpu.memory_space<vmem>>)
      %dma_wait3A_309 = tpu.memref_slice %arg6[%mul3A_141] : memref<25600xi32, #tpu.memory_space<vmem>> -> memref<128xi32, #tpu.memory_space<vmem>>
      %dma_wait3A_310 = arith.constant 0 : i32
      %dma_wait3A_311 = tpu.memref_slice %arg5[%add3A_139, %dma_wait3A_310] : memref<200x128xi32, #tpu.memory_space<vmem>> -> memref<1x128xi32, #tpu.memory_space<vmem>>
      %dma_wait3A_312 = tpu.memref_squeeze %dma_wait3A_311 : memref<1x128xi32, #tpu.memory_space<vmem>> -> memref<128xi32, #tpu.memory_space<vmem>>
      %dma_wait3A_313 = arith.constant 0 : i32
      %dma_wait3A_314 = tpu.memref_slice %arg3[%dma_wait3A_313] : memref<12800000xi32, #tpu.memory_space<hbm>> -> memref<12800000xi32, #tpu.memory_space<hbm>>
      tpu.wait_indirect_dma semaphore(%arg8 : memref<!tpu.dma_semaphore, #tpu.memory_space<semaphore_mem>>) src(%dma_wait3A_314 : memref<12800000xi32, #tpu.memory_space<hbm>>) dst(%dma_wait3A_309 : memref<128xi32, #tpu.memory_space<vmem>>)
      %dma_wait3A_315 = tpu.memref_slice %arg6[%mul3A_151] : memref<25600xi32, #tpu.memory_space<vmem>> -> memref<128xi32, #tpu.memory_space<vmem>>
      %dma_wait3A_316 = arith.constant 0 : i32
      %dma_wait3A_317 = tpu.memref_slice %arg5[%add3A_149, %dma_wait3A_316] : memref<200x128xi32, #tpu.memory_space<vmem>> -> memref<1x128xi32, #tpu.memory_space<vmem>>
      %dma_wait3A_318 = tpu.memref_squeeze %dma_wait3A_317 : memref<1x128xi32, #tpu.memory_space<vmem>> -> memref<128xi32, #tpu.memory_space<vmem>>
      %dma_wait3A_319 = arith.constant 0 : i32
      %dma_wait3A_320 = tpu.memref_slice %arg3[%dma_wait3A_319] : memref<12800000xi32, #tpu.memory_space<hbm>> -> memref<12800000xi32, #tpu.memory_space<hbm>>
      tpu.wait_indirect_dma semaphore(%arg8 : memref<!tpu.dma_semaphore, #tpu.memory_space<semaphore_mem>>) src(%dma_wait3A_320 : memref<12800000xi32, #tpu.memory_space<hbm>>) dst(%dma_wait3A_315 : memref<128xi32, #tpu.memory_space<vmem>>)
      %dma_wait3A_321 = tpu.memref_slice %arg6[%mul3A_161] : memref<25600xi32, #tpu.memory_space<vmem>> -> memref<128xi32, #tpu.memory_space<vmem>>
      %dma_wait3A_322 = arith.constant 0 : i32
      %dma_wait3A_323 = tpu.memref_slice %arg5[%add3A_159, %dma_wait3A_322] : memref<200x128xi32, #tpu.memory_space<vmem>> -> memref<1x128xi32, #tpu.memory_space<vmem>>
      %dma_wait3A_324 = tpu.memref_squeeze %dma_wait3A_323 : memref<1x128xi32, #tpu.memory_space<vmem>> -> memref<128xi32, #tpu.memory_space<vmem>>
      %dma_wait3A_325 = arith.constant 0 : i32
      %dma_wait3A_326 = tpu.memref_slice %arg3[%dma_wait3A_325] : memref<12800000xi32, #tpu.memory_space<hbm>> -> memref<12800000xi32, #tpu.memory_space<hbm>>
      tpu.wait_indirect_dma semaphore(%arg8 : memref<!tpu.dma_semaphore, #tpu.memory_space<semaphore_mem>>) src(%dma_wait3A_326 : memref<12800000xi32, #tpu.memory_space<hbm>>) dst(%dma_wait3A_321 : memref<128xi32, #tpu.memory_space<vmem>>)
      %dma_wait3A_327 = tpu.memref_slice %arg6[%mul3A_171] : memref<25600xi32, #tpu.memory_space<vmem>> -> memref<128xi32, #tpu.memory_space<vmem>>
      %dma_wait3A_328 = arith.constant 0 : i32
      %dma_wait3A_329 = tpu.memref_slice %arg5[%add3A_169, %dma_wait3A_328] : memref<200x128xi32, #tpu.memory_space<vmem>> -> memref<1x128xi32, #tpu.memory_space<vmem>>
      %dma_wait3A_330 = tpu.memref_squeeze %dma_wait3A_329 : memref<1x128xi32, #tpu.memory_space<vmem>> -> memref<128xi32, #tpu.memory_space<vmem>>
      %dma_wait3A_331 = arith.constant 0 : i32
      %dma_wait3A_332 = tpu.memref_slice %arg3[%dma_wait3A_331] : memref<12800000xi32, #tpu.memory_space<hbm>> -> memref<12800000xi32, #tpu.memory_space<hbm>>
      tpu.wait_indirect_dma semaphore(%arg8 : memref<!tpu.dma_semaphore, #tpu.memory_space<semaphore_mem>>) src(%dma_wait3A_332 : memref<12800000xi32, #tpu.memory_space<hbm>>) dst(%dma_wait3A_327 : memref<128xi32, #tpu.memory_space<vmem>>)
      %dma_wait3A_333 = tpu.memref_slice %arg6[%mul3A_181] : memref<25600xi32, #tpu.memory_space<vmem>> -> memref<128xi32, #tpu.memory_space<vmem>>
      %dma_wait3A_334 = arith.constant 0 : i32
      %dma_wait3A_335 = tpu.memref_slice %arg5[%add3A_179, %dma_wait3A_334] : memref<200x128xi32, #tpu.memory_space<vmem>> -> memref<1x128xi32, #tpu.memory_space<vmem>>
      %dma_wait3A_336 = tpu.memref_squeeze %dma_wait3A_335 : memref<1x128xi32, #tpu.memory_space<vmem>> -> memref<128xi32, #tpu.memory_space<vmem>>
      %dma_wait3A_337 = arith.constant 0 : i32
      %dma_wait3A_338 = tpu.memref_slice %arg3[%dma_wait3A_337] : memref<12800000xi32, #tpu.memory_space<hbm>> -> memref<12800000xi32, #tpu.memory_space<hbm>>
      tpu.wait_indirect_dma semaphore(%arg8 : memref<!tpu.dma_semaphore, #tpu.memory_space<semaphore_mem>>) src(%dma_wait3A_338 : memref<12800000xi32, #tpu.memory_space<hbm>>) dst(%dma_wait3A_333 : memref<128xi32, #tpu.memory_space<vmem>>)
      %dma_wait3A_339 = tpu.memref_slice %arg6[%mul3A_191] : memref<25600xi32, #tpu.memory_space<vmem>> -> memref<128xi32, #tpu.memory_space<vmem>>
      %dma_wait3A_340 = arith.constant 0 : i32
      %dma_wait3A_341 = tpu.memref_slice %arg5[%add3A_189, %dma_wait3A_340] : memref<200x128xi32, #tpu.memory_space<vmem>> -> memref<1x128xi32, #tpu.memory_space<vmem>>
      %dma_wait3A_342 = tpu.memref_squeeze %dma_wait3A_341 : memref<1x128xi32, #tpu.memory_space<vmem>> -> memref<128xi32, #tpu.memory_space<vmem>>
      %dma_wait3A_343 = arith.constant 0 : i32
      %dma_wait3A_344 = tpu.memref_slice %arg3[%dma_wait3A_343] : memref<12800000xi32, #tpu.memory_space<hbm>> -> memref<12800000xi32, #tpu.memory_space<hbm>>
      tpu.wait_indirect_dma semaphore(%arg8 : memref<!tpu.dma_semaphore, #tpu.memory_space<semaphore_mem>>) src(%dma_wait3A_344 : memref<12800000xi32, #tpu.memory_space<hbm>>) dst(%dma_wait3A_339 : memref<128xi32, #tpu.memory_space<vmem>>)
      %dma_wait3A_345 = tpu.memref_slice %arg6[%mul3A_201] : memref<25600xi32, #tpu.memory_space<vmem>> -> memref<128xi32, #tpu.memory_space<vmem>>
      %dma_wait3A_346 = arith.constant 0 : i32
      %dma_wait3A_347 = tpu.memref_slice %arg5[%add3A_199, %dma_wait3A_346] : memref<200x128xi32, #tpu.memory_space<vmem>> -> memref<1x128xi32, #tpu.memory_space<vmem>>
      %dma_wait3A_348 = tpu.memref_squeeze %dma_wait3A_347 : memref<1x128xi32, #tpu.memory_space<vmem>> -> memref<128xi32, #tpu.memory_space<vmem>>
      %dma_wait3A_349 = arith.constant 0 : i32
      %dma_wait3A_350 = tpu.memref_slice %arg3[%dma_wait3A_349] : memref<12800000xi32, #tpu.memory_space<hbm>> -> memref<12800000xi32, #tpu.memory_space<hbm>>
      tpu.wait_indirect_dma semaphore(%arg8 : memref<!tpu.dma_semaphore, #tpu.memory_space<semaphore_mem>>) src(%dma_wait3A_350 : memref<12800000xi32, #tpu.memory_space<hbm>>) dst(%dma_wait3A_345 : memref<128xi32, #tpu.memory_space<vmem>>)
      %dma_wait3A_351 = tpu.memref_slice %arg6[%mul3A_211] : memref<25600xi32, #tpu.memory_space<vmem>> -> memref<128xi32, #tpu.memory_space<vmem>>
      %dma_wait3A_352 = arith.constant 0 : i32
      %dma_wait3A_353 = tpu.memref_slice %arg5[%add3A_209, %dma_wait3A_352] : memref<200x128xi32, #tpu.memory_space<vmem>> -> memref<1x128xi32, #tpu.memory_space<vmem>>
      %dma_wait3A_354 = tpu.memref_squeeze %dma_wait3A_353 : memref<1x128xi32, #tpu.memory_space<vmem>> -> memref<128xi32, #tpu.memory_space<vmem>>
      %dma_wait3A_355 = arith.constant 0 : i32
      %dma_wait3A_356 = tpu.memref_slice %arg3[%dma_wait3A_355] : memref<12800000xi32, #tpu.memory_space<hbm>> -> memref<12800000xi32, #tpu.memory_space<hbm>>
      tpu.wait_indirect_dma semaphore(%arg8 : memref<!tpu.dma_semaphore, #tpu.memory_space<semaphore_mem>>) src(%dma_wait3A_356 : memref<12800000xi32, #tpu.memory_space<hbm>>) dst(%dma_wait3A_351 : memref<128xi32, #tpu.memory_space<vmem>>)
      %dma_wait3A_357 = tpu.memref_slice %arg6[%mul3A_221] : memref<25600xi32, #tpu.memory_space<vmem>> -> memref<128xi32, #tpu.memory_space<vmem>>
      %dma_wait3A_358 = arith.constant 0 : i32
      %dma_wait3A_359 = tpu.memref_slice %arg5[%add3A_219, %dma_wait3A_358] : memref<200x128xi32, #tpu.memory_space<vmem>> -> memref<1x128xi32, #tpu.memory_space<vmem>>
      %dma_wait3A_360 = tpu.memref_squeeze %dma_wait3A_359 : memref<1x128xi32, #tpu.memory_space<vmem>> -> memref<128xi32, #tpu.memory_space<vmem>>
      %dma_wait3A_361 = arith.constant 0 : i32
      %dma_wait3A_362 = tpu.memref_slice %arg3[%dma_wait3A_361] : memref<12800000xi32, #tpu.memory_space<hbm>> -> memref<12800000xi32, #tpu.memory_space<hbm>>
      tpu.wait_indirect_dma semaphore(%arg8 : memref<!tpu.dma_semaphore, #tpu.memory_space<semaphore_mem>>) src(%dma_wait3A_362 : memref<12800000xi32, #tpu.memory_space<hbm>>) dst(%dma_wait3A_357 : memref<128xi32, #tpu.memory_space<vmem>>)
      %dma_wait3A_363 = tpu.memref_slice %arg6[%mul3A_231] : memref<25600xi32, #tpu.memory_space<vmem>> -> memref<128xi32, #tpu.memory_space<vmem>>
      %dma_wait3A_364 = arith.constant 0 : i32
      %dma_wait3A_365 = tpu.memref_slice %arg5[%add3A_229, %dma_wait3A_364] : memref<200x128xi32, #tpu.memory_space<vmem>> -> memref<1x128xi32, #tpu.memory_space<vmem>>
      %dma_wait3A_366 = tpu.memref_squeeze %dma_wait3A_365 : memref<1x128xi32, #tpu.memory_space<vmem>> -> memref<128xi32, #tpu.memory_space<vmem>>
      %dma_wait3A_367 = arith.constant 0 : i32
      %dma_wait3A_368 = tpu.memref_slice %arg3[%dma_wait3A_367] : memref<12800000xi32, #tpu.memory_space<hbm>> -> memref<12800000xi32, #tpu.memory_space<hbm>>
      tpu.wait_indirect_dma semaphore(%arg8 : memref<!tpu.dma_semaphore, #tpu.memory_space<semaphore_mem>>) src(%dma_wait3A_368 : memref<12800000xi32, #tpu.memory_space<hbm>>) dst(%dma_wait3A_363 : memref<128xi32, #tpu.memory_space<vmem>>)
      %dma_wait3A_369 = tpu.memref_slice %arg6[%mul3A_241] : memref<25600xi32, #tpu.memory_space<vmem>> -> memref<128xi32, #tpu.memory_space<vmem>>
      %dma_wait3A_370 = arith.constant 0 : i32
      %dma_wait3A_371 = tpu.memref_slice %arg5[%add3A_239, %dma_wait3A_370] : memref<200x128xi32, #tpu.memory_space<vmem>> -> memref<1x128xi32, #tpu.memory_space<vmem>>
      %dma_wait3A_372 = tpu.memref_squeeze %dma_wait3A_371 : memref<1x128xi32, #tpu.memory_space<vmem>> -> memref<128xi32, #tpu.memory_space<vmem>>
      %dma_wait3A_373 = arith.constant 0 : i32
      %dma_wait3A_374 = tpu.memref_slice %arg3[%dma_wait3A_373] : memref<12800000xi32, #tpu.memory_space<hbm>> -> memref<12800000xi32, #tpu.memory_space<hbm>>
      tpu.wait_indirect_dma semaphore(%arg8 : memref<!tpu.dma_semaphore, #tpu.memory_space<semaphore_mem>>) src(%dma_wait3A_374 : memref<12800000xi32, #tpu.memory_space<hbm>>) dst(%dma_wait3A_369 : memref<128xi32, #tpu.memory_space<vmem>>)
      %dma_wait3A_375 = tpu.memref_slice %arg6[%mul3A_251] : memref<25600xi32, #tpu.memory_space<vmem>> -> memref<128xi32, #tpu.memory_space<vmem>>
      %dma_wait3A_376 = arith.constant 0 : i32
      %dma_wait3A_377 = tpu.memref_slice %arg5[%add3A_249, %dma_wait3A_376] : memref<200x128xi32, #tpu.memory_space<vmem>> -> memref<1x128xi32, #tpu.memory_space<vmem>>
      %dma_wait3A_378 = tpu.memref_squeeze %dma_wait3A_377 : memref<1x128xi32, #tpu.memory_space<vmem>> -> memref<128xi32, #tpu.memory_space<vmem>>
      %dma_wait3A_379 = arith.constant 0 : i32
      %dma_wait3A_380 = tpu.memref_slice %arg3[%dma_wait3A_379] : memref<12800000xi32, #tpu.memory_space<hbm>> -> memref<12800000xi32, #tpu.memory_space<hbm>>
      tpu.wait_indirect_dma semaphore(%arg8 : memref<!tpu.dma_semaphore, #tpu.memory_space<semaphore_mem>>) src(%dma_wait3A_380 : memref<12800000xi32, #tpu.memory_space<hbm>>) dst(%dma_wait3A_375 : memref<128xi32, #tpu.memory_space<vmem>>)
      %dma_wait3A_381 = tpu.memref_slice %arg6[%mul3A_261] : memref<25600xi32, #tpu.memory_space<vmem>> -> memref<128xi32, #tpu.memory_space<vmem>>
      %dma_wait3A_382 = arith.constant 0 : i32
      %dma_wait3A_383 = tpu.memref_slice %arg5[%add3A_259, %dma_wait3A_382] : memref<200x128xi32, #tpu.memory_space<vmem>> -> memref<1x128xi32, #tpu.memory_space<vmem>>
      %dma_wait3A_384 = tpu.memref_squeeze %dma_wait3A_383 : memref<1x128xi32, #tpu.memory_space<vmem>> -> memref<128xi32, #tpu.memory_space<vmem>>
      %dma_wait3A_385 = arith.constant 0 : i32
      %dma_wait3A_386 = tpu.memref_slice %arg3[%dma_wait3A_385] : memref<12800000xi32, #tpu.memory_space<hbm>> -> memref<12800000xi32, #tpu.memory_space<hbm>>
      tpu.wait_indirect_dma semaphore(%arg8 : memref<!tpu.dma_semaphore, #tpu.memory_space<semaphore_mem>>) src(%dma_wait3A_386 : memref<12800000xi32, #tpu.memory_space<hbm>>) dst(%dma_wait3A_381 : memref<128xi32, #tpu.memory_space<vmem>>)
    }
    %scan3A_5 = arith.constant 10 : i32
    %broadcast_in_dim3A = arith.constant 0.000000e+00 : f32
    %broadcast_in_dim3A_6 = vector.broadcast %broadcast_in_dim3A : f32 to vector<16xf32>
    %broadcast_in_dim3A_7 = arith.constant 0.000000e+00 : f32
    %broadcast_in_dim3A_8 = vector.broadcast %broadcast_in_dim3A_7 : f32 to vector<16xf32>
    %broadcast_in_dim3A_9 = arith.constant 0.000000e+00 : f32
    %broadcast_in_dim3A_10 = vector.broadcast %broadcast_in_dim3A_9 : f32 to vector<16xf32>
    %broadcast_in_dim3A_11 = arith.constant 0.000000e+00 : f32
    %broadcast_in_dim3A_12 = vector.broadcast %broadcast_in_dim3A_11 : f32 to vector<16xf32>
    %broadcast_in_dim3A_13 = arith.constant 0.000000e+00 : f32
    %broadcast_in_dim3A_14 = vector.broadcast %broadcast_in_dim3A_13 : f32 to vector<16xf32>
    %broadcast_in_dim3A_15 = arith.constant 0.000000e+00 : f32
    %broadcast_in_dim3A_16 = vector.broadcast %broadcast_in_dim3A_15 : f32 to vector<16xf32>
    %broadcast_in_dim3A_17 = arith.constant 0.000000e+00 : f32
    %broadcast_in_dim3A_18 = vector.broadcast %broadcast_in_dim3A_17 : f32 to vector<16xf32>
    %broadcast_in_dim3A_19 = arith.constant 0.000000e+00 : f32
    %broadcast_in_dim3A_20 = vector.broadcast %broadcast_in_dim3A_19 : f32 to vector<16xf32>
    %scan3A_21 = arith.constant 0 : i32
    %scan3A_22 = arith.constant 128 : i32
    %scan3A_23 = arith.addi %scan3A_21, %scan3A_22 : i32
    %scan3A_24 = arith.constant 1 : i32
    %scan3A_25:8 = scf.for %scan3A_66 = %scan3A_21 to %scan3A_23 step %scan3A_24 iter_args(%scan3A_67 = %broadcast_in_dim3A_6, %scan3A_68 = %broadcast_in_dim3A_8, %scan3A_69 = %broadcast_in_dim3A_10, %scan3A_70 = %broadcast_in_dim3A_12, %scan3A_71 = %broadcast_in_dim3A_14, %scan3A_72 = %broadcast_in_dim3A_16, %scan3A_73 = %broadcast_in_dim3A_18, %scan3A_74 = %broadcast_in_dim3A_20) -> (vector<16xf32>, vector<16xf32>, vector<16xf32>, vector<16xf32>, vector<16xf32>, vector<16xf32>, vector<16xf32>, vector<16xf32>)  : i32 {
      %mul3A_75 = arith.constant 128 : i32
      %mul3A_76 = arith.muli %scan3A_66, %mul3A_75 : i32
      %add3A_77 = arith.constant 0 : i32
      %add3A_78 = arith.addi %mul3A_76, %add3A_77 : i32
      %get3A = arith.index_cast %add3A_78 : i32 to index
      %get3A_79 = tpu.vector_load %arg6[%get3A] {strides = array<i32>} : memref<25600xi32, #tpu.memory_space<vmem>>, vector<16xi32>,
      %get3A_80 = vector.shape_cast %get3A_79 : vector<16xi32> to vector<16xi32>
      %shift_left3A = arith.constant 16 : i32
      %shift_left3A_81 = vector.broadcast %shift_left3A : i32 to vector<16xi32>
      %shift_left3A_82 = arith.shli %get3A_80, %shift_left3A_81 : vector<16xi32>
      %bitcast_convert_type3A = tpu.bitcast %shift_left3A_82 : vector<16xi32> -> vector<16xf32>
      %add3A_83 = arith.addf %scan3A_67, %bitcast_convert_type3A : vector<16xf32>
      %add3A_84 = arith.constant 16 : i32
      %add3A_85 = arith.addi %mul3A_76, %add3A_84 : i32
      %get3A_86 = arith.index_cast %add3A_85 : i32 to index
      %get3A_87 = tpu.vector_load %arg6[%get3A_86] {strides = array<i32>} : memref<25600xi32, #tpu.memory_space<vmem>>, vector<16xi32>,
      %get3A_88 = vector.shape_cast %get3A_87 : vector<16xi32> to vector<16xi32>
      %shift_left3A_89 = arith.constant 16 : i32
      %shift_left3A_90 = vector.broadcast %shift_left3A_89 : i32 to vector<16xi32>
      %shift_left3A_91 = arith.shli %get3A_88, %shift_left3A_90 : vector<16xi32>
      %bitcast_convert_type3A_92 = tpu.bitcast %shift_left3A_91 : vector<16xi32> -> vector<16xf32>
      %add3A_93 = arith.addf %scan3A_68, %bitcast_convert_type3A_92 : vector<16xf32>
      %add3A_94 = arith.constant 32 : i32
      %add3A_95 = arith.addi %mul3A_76, %add3A_94 : i32
      %get3A_96 = arith.index_cast %add3A_95 : i32 to index
      %get3A_97 = tpu.vector_load %arg6[%get3A_96] {strides = array<i32>} : memref<25600xi32, #tpu.memory_space<vmem>>, vector<16xi32>,
      %get3A_98 = vector.shape_cast %get3A_97 : vector<16xi32> to vector<16xi32>
      %shift_left3A_99 = arith.constant 16 : i32
      %shift_left3A_100 = vector.broadcast %shift_left3A_99 : i32 to vector<16xi32>
      %shift_left3A_101 = arith.shli %get3A_98, %shift_left3A_100 : vector<16xi32>
      %bitcast_convert_type3A_102 = tpu.bitcast %shift_left3A_101 : vector<16xi32> -> vector<16xf32>
      %add3A_103 = arith.addf %scan3A_69, %bitcast_convert_type3A_102 : vector<16xf32>
      %add3A_104 = arith.constant 48 : i32
      %add3A_105 = arith.addi %mul3A_76, %add3A_104 : i32
      %get3A_106 = arith.index_cast %add3A_105 : i32 to index
      %get3A_107 = tpu.vector_load %arg6[%get3A_106] {strides = array<i32>} : memref<25600xi32, #tpu.memory_space<vmem>>, vector<16xi32>,
      %get3A_108 = vector.shape_cast %get3A_107 : vector<16xi32> to vector<16xi32>
      %shift_left3A_109 = arith.constant 16 : i32
      %shift_left3A_110 = vector.broadcast %shift_left3A_109 : i32 to vector<16xi32>
      %shift_left3A_111 = arith.shli %get3A_108, %shift_left3A_110 : vector<16xi32>
      %bitcast_convert_type3A_112 = tpu.bitcast %shift_left3A_111 : vector<16xi32> -> vector<16xf32>
      %add3A_113 = arith.addf %scan3A_70, %bitcast_convert_type3A_112 : vector<16xf32>
      %add3A_114 = arith.constant 64 : i32
      %add3A_115 = arith.addi %mul3A_76, %add3A_114 : i32
      %get3A_116 = arith.index_cast %add3A_115 : i32 to index
      %get3A_117 = tpu.vector_load %arg6[%get3A_116] {strides = array<i32>} : memref<25600xi32, #tpu.memory_space<vmem>>, vector<16xi32>,
      %get3A_118 = vector.shape_cast %get3A_117 : vector<16xi32> to vector<16xi32>
      %shift_left3A_119 = arith.constant 16 : i32
      %shift_left3A_120 = vector.broadcast %shift_left3A_119 : i32 to vector<16xi32>
      %shift_left3A_121 = arith.shli %get3A_118, %shift_left3A_120 : vector<16xi32>
      %bitcast_convert_type3A_122 = tpu.bitcast %shift_left3A_121 : vector<16xi32> -> vector<16xf32>
      %add3A_123 = arith.addf %scan3A_71, %bitcast_convert_type3A_122 : vector<16xf32>
      %add3A_124 = arith.constant 80 : i32
      %add3A_125 = arith.addi %mul3A_76, %add3A_124 : i32
      %get3A_126 = arith.index_cast %add3A_125 : i32 to index
      %get3A_127 = tpu.vector_load %arg6[%get3A_126] {strides = array<i32>} : memref<25600xi32, #tpu.memory_space<vmem>>, vector<16xi32>,
      %get3A_128 = vector.shape_cast %get3A_127 : vector<16xi32> to vector<16xi32>
      %shift_left3A_129 = arith.constant 16 : i32
      %shift_left3A_130 = vector.broadcast %shift_left3A_129 : i32 to vector<16xi32>
      %shift_left3A_131 = arith.shli %get3A_128, %shift_left3A_130 : vector<16xi32>
      %bitcast_convert_type3A_132 = tpu.bitcast %shift_left3A_131 : vector<16xi32> -> vector<16xf32>
      %add3A_133 = arith.addf %scan3A_72, %bitcast_convert_type3A_132 : vector<16xf32>
      %add3A_134 = arith.constant 96 : i32
      %add3A_135 = arith.addi %mul3A_76, %add3A_134 : i32
      %get3A_136 = arith.index_cast %add3A_135 : i32 to index
      %get3A_137 = tpu.vector_load %arg6[%get3A_136] {strides = array<i32>} : memref<25600xi32, #tpu.memory_space<vmem>>, vector<16xi32>,
      %get3A_138 = vector.shape_cast %get3A_137 : vector<16xi32> to vector<16xi32>
      %shift_left3A_139 = arith.constant 16 : i32
      %shift_left3A_140 = vector.broadcast %shift_left3A_139 : i32 to vector<16xi32>
      %shift_left3A_141 = arith.shli %get3A_138, %shift_left3A_140 : vector<16xi32>
      %bitcast_convert_type3A_142 = tpu.bitcast %shift_left3A_141 : vector<16xi32> -> vector<16xf32>
      %add3A_143 = arith.addf %scan3A_73, %bitcast_convert_type3A_142 : vector<16xf32>
      %add3A_144 = arith.constant 112 : i32
      %add3A_145 = arith.addi %mul3A_76, %add3A_144 : i32
      %get3A_146 = arith.index_cast %add3A_145 : i32 to index
      %get3A_147 = tpu.vector_load %arg6[%get3A_146] {strides = array<i32>} : memref<25600xi32, #tpu.memory_space<vmem>>, vector<16xi32>,
      %get3A_148 = vector.shape_cast %get3A_147 : vector<16xi32> to vector<16xi32>
      %shift_left3A_149 = arith.constant 16 : i32
      %shift_left3A_150 = vector.broadcast %shift_left3A_149 : i32 to vector<16xi32>
      %shift_left3A_151 = arith.shli %get3A_148, %shift_left3A_150 : vector<16xi32>
      %bitcast_convert_type3A_152 = tpu.bitcast %shift_left3A_151 : vector<16xi32> -> vector<16xf32>
      %add3A_153 = arith.addf %scan3A_74, %bitcast_convert_type3A_152 : vector<16xf32>
      scf.yield %add3A_83, %add3A_93, %add3A_103, %add3A_113, %add3A_123, %add3A_133, %add3A_143, %add3A_153 : vector<16xf32>, vector<16xf32>, vector<16xf32>, vector<16xf32>, vector<16xf32>, vector<16xf32>, vector<16xf32>, vector<16xf32>
    }
    %scan3A_26 = arith.constant 128 : i32
    %scan3A_27 = arith.constant 128 : i32
    %scan3A_28 = arith.constant 72 : i32
    %scan3A_29 = arith.addi %scan3A_27, %scan3A_28 : i32
    %scan3A_30 = arith.constant 1 : i32
    %scan3A_31:8 = scf.for %scan3A_66 = %scan3A_27 to %scan3A_29 step %scan3A_30 iter_args(%scan3A_67 = %scan3A_25#0, %scan3A_68 = %scan3A_25#1, %scan3A_69 = %scan3A_25#2, %scan3A_70 = %scan3A_25#3, %scan3A_71 = %scan3A_25#4, %scan3A_72 = %scan3A_25#5, %scan3A_73 = %scan3A_25#6, %scan3A_74 = %scan3A_25#7) -> (vector<16xf32>, vector<16xf32>, vector<16xf32>, vector<16xf32>, vector<16xf32>, vector<16xf32>, vector<16xf32>, vector<16xf32>)  : i32 {
      %mul3A_75 = arith.constant 128 : i32
      %mul3A_76 = arith.muli %scan3A_66, %mul3A_75 : i32
      %add3A_77 = arith.constant 0 : i32
      %add3A_78 = arith.addi %mul3A_76, %add3A_77 : i32
      %get3A = arith.index_cast %add3A_78 : i32 to index
      %get3A_79 = tpu.vector_load %arg6[%get3A] {strides = array<i32>} : memref<25600xi32, #tpu.memory_space<vmem>>, vector<16xi32>,
      %get3A_80 = vector.shape_cast %get3A_79 : vector<16xi32> to vector<16xi32>
      %and3A = arith.constant -65536 : i32
      %and3A_81 = vector.broadcast %and3A : i32 to vector<16xi32>
      %and3A_82 = arith.andi %get3A_80, %and3A_81 : vector<16xi32>
      %bitcast_convert_type3A = tpu.bitcast %and3A_82 : vector<16xi32> -> vector<16xf32>
      %add3A_83 = arith.addf %scan3A_67, %bitcast_convert_type3A : vector<16xf32>
      %add3A_84 = arith.constant 16 : i32
      %add3A_85 = arith.addi %mul3A_76, %add3A_84 : i32
      %get3A_86 = arith.index_cast %add3A_85 : i32 to index
      %get3A_87 = tpu.vector_load %arg6[%get3A_86] {strides = array<i32>} : memref<25600xi32, #tpu.memory_space<vmem>>, vector<16xi32>,
      %get3A_88 = vector.shape_cast %get3A_87 : vector<16xi32> to vector<16xi32>
      %and3A_89 = arith.constant -65536 : i32
      %and3A_90 = vector.broadcast %and3A_89 : i32 to vector<16xi32>
      %and3A_91 = arith.andi %get3A_88, %and3A_90 : vector<16xi32>
      %bitcast_convert_type3A_92 = tpu.bitcast %and3A_91 : vector<16xi32> -> vector<16xf32>
      %add3A_93 = arith.addf %scan3A_68, %bitcast_convert_type3A_92 : vector<16xf32>
      %add3A_94 = arith.constant 32 : i32
      %add3A_95 = arith.addi %mul3A_76, %add3A_94 : i32
      %get3A_96 = arith.index_cast %add3A_95 : i32 to index
      %get3A_97 = tpu.vector_load %arg6[%get3A_96] {strides = array<i32>} : memref<25600xi32, #tpu.memory_space<vmem>>, vector<16xi32>,
      %get3A_98 = vector.shape_cast %get3A_97 : vector<16xi32> to vector<16xi32>
      %and3A_99 = arith.constant -65536 : i32
      %and3A_100 = vector.broadcast %and3A_99 : i32 to vector<16xi32>
      %and3A_101 = arith.andi %get3A_98, %and3A_100 : vector<16xi32>
      %bitcast_convert_type3A_102 = tpu.bitcast %and3A_101 : vector<16xi32> -> vector<16xf32>
      %add3A_103 = arith.addf %scan3A_69, %bitcast_convert_type3A_102 : vector<16xf32>
      %add3A_104 = arith.constant 48 : i32
      %add3A_105 = arith.addi %mul3A_76, %add3A_104 : i32
      %get3A_106 = arith.index_cast %add3A_105 : i32 to index
      %get3A_107 = tpu.vector_load %arg6[%get3A_106] {strides = array<i32>} : memref<25600xi32, #tpu.memory_space<vmem>>, vector<16xi32>,
      %get3A_108 = vector.shape_cast %get3A_107 : vector<16xi32> to vector<16xi32>
      %and3A_109 = arith.constant -65536 : i32
      %and3A_110 = vector.broadcast %and3A_109 : i32 to vector<16xi32>
      %and3A_111 = arith.andi %get3A_108, %and3A_110 : vector<16xi32>
      %bitcast_convert_type3A_112 = tpu.bitcast %and3A_111 : vector<16xi32> -> vector<16xf32>
      %add3A_113 = arith.addf %scan3A_70, %bitcast_convert_type3A_112 : vector<16xf32>
      %add3A_114 = arith.constant 64 : i32
      %add3A_115 = arith.addi %mul3A_76, %add3A_114 : i32
      %get3A_116 = arith.index_cast %add3A_115 : i32 to index
      %get3A_117 = tpu.vector_load %arg6[%get3A_116] {strides = array<i32>} : memref<25600xi32, #tpu.memory_space<vmem>>, vector<16xi32>,
      %get3A_118 = vector.shape_cast %get3A_117 : vector<16xi32> to vector<16xi32>
      %and3A_119 = arith.constant -65536 : i32
      %and3A_120 = vector.broadcast %and3A_119 : i32 to vector<16xi32>
      %and3A_121 = arith.andi %get3A_118, %and3A_120 : vector<16xi32>
      %bitcast_convert_type3A_122 = tpu.bitcast %and3A_121 : vector<16xi32> -> vector<16xf32>
      %add3A_123 = arith.addf %scan3A_71, %bitcast_convert_type3A_122 : vector<16xf32>
      %add3A_124 = arith.constant 80 : i32
      %add3A_125 = arith.addi %mul3A_76, %add3A_124 : i32
      %get3A_126 = arith.index_cast %add3A_125 : i32 to index
      %get3A_127 = tpu.vector_load %arg6[%get3A_126] {strides = array<i32>} : memref<25600xi32, #tpu.memory_space<vmem>>, vector<16xi32>,
      %get3A_128 = vector.shape_cast %get3A_127 : vector<16xi32> to vector<16xi32>
      %and3A_129 = arith.constant -65536 : i32
      %and3A_130 = vector.broadcast %and3A_129 : i32 to vector<16xi32>
      %and3A_131 = arith.andi %get3A_128, %and3A_130 : vector<16xi32>
      %bitcast_convert_type3A_132 = tpu.bitcast %and3A_131 : vector<16xi32> -> vector<16xf32>
      %add3A_133 = arith.addf %scan3A_72, %bitcast_convert_type3A_132 : vector<16xf32>
      %add3A_134 = arith.constant 96 : i32
      %add3A_135 = arith.addi %mul3A_76, %add3A_134 : i32
      %get3A_136 = arith.index_cast %add3A_135 : i32 to index
      %get3A_137 = tpu.vector_load %arg6[%get3A_136] {strides = array<i32>} : memref<25600xi32, #tpu.memory_space<vmem>>, vector<16xi32>,
      %get3A_138 = vector.shape_cast %get3A_137 : vector<16xi32> to vector<16xi32>
      %and3A_139 = arith.constant -65536 : i32
      %and3A_140 = vector.broadcast %and3A_139 : i32 to vector<16xi32>
      %and3A_141 = arith.andi %get3A_138, %and3A_140 : vector<16xi32>
      %bitcast_convert_type3A_142 = tpu.bitcast %and3A_141 : vector<16xi32> -> vector<16xf32>
      %add3A_143 = arith.addf %scan3A_73, %bitcast_convert_type3A_142 : vector<16xf32>
      %add3A_144 = arith.constant 112 : i32
      %add3A_145 = arith.addi %mul3A_76, %add3A_144 : i32
      %get3A_146 = arith.index_cast %add3A_145 : i32 to index
      %get3A_147 = tpu.vector_load %arg6[%get3A_146] {strides = array<i32>} : memref<25600xi32, #tpu.memory_space<vmem>>, vector<16xi32>,
      %get3A_148 = vector.shape_cast %get3A_147 : vector<16xi32> to vector<16xi32>
      %and3A_149 = arith.constant -65536 : i32
      %and3A_150 = vector.broadcast %and3A_149 : i32 to vector<16xi32>
      %and3A_151 = arith.andi %get3A_148, %and3A_150 : vector<16xi32>
      %bitcast_convert_type3A_152 = tpu.bitcast %and3A_151 : vector<16xi32> -> vector<16xf32>
      %add3A_153 = arith.addf %scan3A_74, %bitcast_convert_type3A_152 : vector<16xf32>
      scf.yield %add3A_83, %add3A_93, %add3A_103, %add3A_113, %add3A_123, %add3A_133, %add3A_143, %add3A_153 : vector<16xf32>, vector<16xf32>, vector<16xf32>, vector<16xf32>, vector<16xf32>, vector<16xf32>, vector<16xf32>, vector<16xf32>
    }
    %scan3A_32 = arith.constant 72 : i32
    %swap3A = arith.constant 0 : index
    %swap3A_33 = tpu.vector_load %arg7[%swap3A] {strides = array<i32>} : memref<128xf32, #tpu.memory_space<vmem>>, vector<16xf32>,
    %swap3A_34 = vector.shape_cast %swap3A_33 : vector<16xf32> to vector<16xf32>
    %swap3A_35 = vector.shape_cast %scan3A_31#0 : vector<16xf32> to vector<16xf32>
    tpu.vector_store %arg7[%swap3A], %swap3A_35 {strides = array<i32>} : memref<128xf32, #tpu.memory_space<vmem>>, vector<16xf32>,
    %swap3A_36 = arith.constant 16 : index
    %swap3A_37 = tpu.vector_load %arg7[%swap3A_36] {strides = array<i32>} : memref<128xf32, #tpu.memory_space<vmem>>, vector<16xf32>,
    %swap3A_38 = vector.shape_cast %swap3A_37 : vector<16xf32> to vector<16xf32>
    %swap3A_39 = vector.shape_cast %scan3A_31#1 : vector<16xf32> to vector<16xf32>
    tpu.vector_store %arg7[%swap3A_36], %swap3A_39 {strides = array<i32>} : memref<128xf32, #tpu.memory_space<vmem>>, vector<16xf32>,
    %swap3A_40 = arith.constant 32 : index
    %swap3A_41 = tpu.vector_load %arg7[%swap3A_40] {strides = array<i32>} : memref<128xf32, #tpu.memory_space<vmem>>, vector<16xf32>,
    %swap3A_42 = vector.shape_cast %swap3A_41 : vector<16xf32> to vector<16xf32>
    %swap3A_43 = vector.shape_cast %scan3A_31#2 : vector<16xf32> to vector<16xf32>
    tpu.vector_store %arg7[%swap3A_40], %swap3A_43 {strides = array<i32>} : memref<128xf32, #tpu.memory_space<vmem>>, vector<16xf32>,
    %swap3A_44 = arith.constant 48 : index
    %swap3A_45 = tpu.vector_load %arg7[%swap3A_44] {strides = array<i32>} : memref<128xf32, #tpu.memory_space<vmem>>, vector<16xf32>,
    %swap3A_46 = vector.shape_cast %swap3A_45 : vector<16xf32> to vector<16xf32>
    %swap3A_47 = vector.shape_cast %scan3A_31#3 : vector<16xf32> to vector<16xf32>
    tpu.vector_store %arg7[%swap3A_44], %swap3A_47 {strides = array<i32>} : memref<128xf32, #tpu.memory_space<vmem>>, vector<16xf32>,
    %swap3A_48 = arith.constant 64 : index
    %swap3A_49 = tpu.vector_load %arg7[%swap3A_48] {strides = array<i32>} : memref<128xf32, #tpu.memory_space<vmem>>, vector<16xf32>,
    %swap3A_50 = vector.shape_cast %swap3A_49 : vector<16xf32> to vector<16xf32>
    %swap3A_51 = vector.shape_cast %scan3A_31#4 : vector<16xf32> to vector<16xf32>
    tpu.vector_store %arg7[%swap3A_48], %swap3A_51 {strides = array<i32>} : memref<128xf32, #tpu.memory_space<vmem>>, vector<16xf32>,
    %swap3A_52 = arith.constant 80 : index
    %swap3A_53 = tpu.vector_load %arg7[%swap3A_52] {strides = array<i32>} : memref<128xf32, #tpu.memory_space<vmem>>, vector<16xf32>,
    %swap3A_54 = vector.shape_cast %swap3A_53 : vector<16xf32> to vector<16xf32>
    %swap3A_55 = vector.shape_cast %scan3A_31#5 : vector<16xf32> to vector<16xf32>
    tpu.vector_store %arg7[%swap3A_52], %swap3A_55 {strides = array<i32>} : memref<128xf32, #tpu.memory_space<vmem>>, vector<16xf32>,
    %swap3A_56 = arith.constant 96 : index
    %swap3A_57 = tpu.vector_load %arg7[%swap3A_56] {strides = array<i32>} : memref<128xf32, #tpu.memory_space<vmem>>, vector<16xf32>,
    %swap3A_58 = vector.shape_cast %swap3A_57 : vector<16xf32> to vector<16xf32>
    %swap3A_59 = vector.shape_cast %scan3A_31#6 : vector<16xf32> to vector<16xf32>
    tpu.vector_store %arg7[%swap3A_56], %swap3A_59 {strides = array<i32>} : memref<128xf32, #tpu.memory_space<vmem>>, vector<16xf32>,
    %swap3A_60 = arith.constant 112 : index
    %swap3A_61 = tpu.vector_load %arg7[%swap3A_60] {strides = array<i32>} : memref<128xf32, #tpu.memory_space<vmem>>, vector<16xf32>,
    %swap3A_62 = vector.shape_cast %swap3A_61 : vector<16xf32> to vector<16xf32>
    %swap3A_63 = vector.shape_cast %scan3A_31#7 : vector<16xf32> to vector<16xf32>
    tpu.vector_store %arg7[%swap3A_60], %swap3A_63 {strides = array<i32>} : memref<128xf32, #tpu.memory_space<vmem>>, vector<16xf32>,
    %mul3A_64 = arith.constant 128 : i32
    %mul3A_65 = arith.muli %add3A, %mul3A_64 : i32
    "tpu.region"() ({
      %run_scoped3A = tpu.sem_alloc : memref<!tpu.dma_semaphore, #tpu.memory_space<semaphore_mem>>
      %dma_start3A = tpu.memref_slice %arg4[%mul3A_65] : memref<4096xf32, #tpu.memory_space<hbm>> -> memref<128xf32, #tpu.memory_space<hbm>>
      %dma_start3A_66 = tpu.memref_slice %arg4[%mul3A_65] : memref<4096xf32, #tpu.memory_space<hbm>> -> memref<128xf32, #tpu.memory_space<hbm>>
      tpu.enqueue_dma source(%arg7 : memref<128xf32, #tpu.memory_space<vmem>>) target(%dma_start3A_66 : memref<128xf32, #tpu.memory_space<hbm>>) target_semaphore(%run_scoped3A : memref<!tpu.dma_semaphore, #tpu.memory_space<semaphore_mem>>)
      %dma_wait3A = tpu.memref_slice %arg4[%mul3A_65] : memref<4096xf32, #tpu.memory_space<hbm>> -> memref<128xf32, #tpu.memory_space<hbm>>
      %dma_wait3A_67 = tpu.memref_slice %arg4[%mul3A_65] : memref<4096xf32, #tpu.memory_space<hbm>> -> memref<128xf32, #tpu.memory_space<hbm>>
      tpu.wait_dma2 semaphore(%run_scoped3A : memref<!tpu.dma_semaphore, #tpu.memory_space<semaphore_mem>>) src(%arg7 : memref<128xf32, #tpu.memory_space<vmem>>) dst(%dma_wait3A_67 : memref<128xf32, #tpu.memory_space<hbm>>)
      tpu.yield
    }) : () -> ()
    return
  }
}

module attributes {stable_mosaic.version = 14 : i64} {
  func.func @_q_body(%arg0: i32, %arg1: memref<2000x100xf32, #tpu.memory_space<vmem>>, %arg2: memref<2x256x100xf32, #tpu.memory_space<vmem>>, %arg3: memref<2000x128xi32, #tpu.memory_space<vmem>>) attributes {dimension_semantics = [#tpu.dimension_semantics<arbitrary>], iteration_bounds = array<i64: 50>, scalar_prefetch = 0 : i64, scratch_operands = 0 : i64, tpu.core_type = #tpu.core_type<tc>, window_params = [{transform_indices = @transform_0, window_bounds = array<i64: 2000, 100>}, {pipeline_mode = #tpu.pipeline_mode<synchronous>, transform_indices = @transform_1, window_bounds = array<i64: 2, 256, 100>}, {transform_indices = @transform_2, window_bounds = array<i64: 2000, 128>}]} {
    %get3A = arith.constant 1 : index
    %get3A_0 = arith.constant 0 : index
    %get3A_1 = arith.constant 0 : index
    %get3A_2 = vector.load %arg2[%get3A, %get3A_0, %get3A_1] : memref<2x256x100xf32, #tpu.memory_space<vmem>>, vector<1x256x100xf32>
    %get3A_3 = vector.shape_cast %get3A_2 : vector<1x256x100xf32> to vector<256x100xf32>
    %get3A_4 = arith.constant 0 : index
    %get3A_5 = arith.constant 0 : index
    %get3A_6 = arith.constant 0 : index
    %get3A_7 = vector.load %arg2[%get3A_4, %get3A_5, %get3A_6] : memref<2x256x100xf32, #tpu.memory_space<vmem>>, vector<1x256x100xf32>
    %get3A_8 = vector.shape_cast %get3A_7 : vector<1x256x100xf32> to vector<256x100xf32>
    %sub3A = arith.subf %get3A_3, %get3A_8 : vector<256x100xf32>
    %get3A_9 = arith.constant 0 : index
    %get3A_10 = arith.constant 0 : index
    %get3A_11 = vector.load %arg1[%get3A_9, %get3A_10] : memref<2000x100xf32, #tpu.memory_space<vmem>>, vector<2000x100xf32>
    %dot_general3A = arith.constant dense<0.000000e+00> : vector<2000x256xf32>
    %dot_general3A_12 = tpu.matmul %get3A_11, %sub3A, %dot_general3A {dimension_numbers = #tpu.dot_dimension_numbers<[1], [1], [0], [0], [0, 0, 1, 0], [], []>, transpose_lhs_hint = false} : vector<2000x100xf32>, vector<256x100xf32>, vector<2000x256xf32> -> vector<2000x256xf32>
    %slice3A = vector.extract_strided_slice %dot_general3A_12 {offsets = [0, 0], sizes = [2000, 128], strides = [1, 1]} : vector<2000x256xf32> to vector<2000x128xf32>
    %bitcast_convert_type3A = tpu.bitcast %slice3A : vector<2000x128xf32> -> vector<2000x128xi32>
    %add3A = arith.constant 32767 : i32
    %add3A_13 = vector.broadcast %add3A : i32 to vector<2000x128xi32>
    %add3A_14 = arith.addi %bitcast_convert_type3A, %add3A_13 : vector<2000x128xi32>
    %shift_right_logical3A = arith.constant 16 : i32
    %shift_right_logical3A_15 = vector.broadcast %shift_right_logical3A : i32 to vector<2000x128xi32>
    %shift_right_logical3A_16 = arith.shrui %bitcast_convert_type3A, %shift_right_logical3A_15 : vector<2000x128xi32>
    %and3A = arith.constant 1 : i32
    %and3A_17 = vector.broadcast %and3A : i32 to vector<2000x128xi32>
    %and3A_18 = arith.andi %shift_right_logical3A_16, %and3A_17 : vector<2000x128xi32>
    %add3A_19 = arith.addi %add3A_14, %and3A_18 : vector<2000x128xi32>
    %shift_right_logical3A_20 = arith.constant 16 : i32
    %shift_right_logical3A_21 = vector.broadcast %shift_right_logical3A_20 : i32 to vector<2000x128xi32>
    %shift_right_logical3A_22 = arith.shrui %add3A_19, %shift_right_logical3A_21 : vector<2000x128xi32>
    %slice3A_23 = vector.extract_strided_slice %dot_general3A_12 {offsets = [0, 128], sizes = [2000, 128], strides = [1, 1]} : vector<2000x256xf32> to vector<2000x128xf32>
    %bitcast_convert_type3A_24 = tpu.bitcast %slice3A_23 : vector<2000x128xf32> -> vector<2000x128xi32>
    %add3A_25 = arith.constant 32767 : i32
    %add3A_26 = vector.broadcast %add3A_25 : i32 to vector<2000x128xi32>
    %add3A_27 = arith.addi %bitcast_convert_type3A_24, %add3A_26 : vector<2000x128xi32>
    %shift_right_logical3A_28 = arith.constant 16 : i32
    %shift_right_logical3A_29 = vector.broadcast %shift_right_logical3A_28 : i32 to vector<2000x128xi32>
    %shift_right_logical3A_30 = arith.shrui %bitcast_convert_type3A_24, %shift_right_logical3A_29 : vector<2000x128xi32>
    %and3A_31 = arith.constant 1 : i32
    %and3A_32 = vector.broadcast %and3A_31 : i32 to vector<2000x128xi32>
    %and3A_33 = arith.andi %shift_right_logical3A_30, %and3A_32 : vector<2000x128xi32>
    %add3A_34 = arith.addi %add3A_27, %and3A_33 : vector<2000x128xi32>
    %shift_right_logical3A_35 = arith.constant 16 : i32
    %shift_right_logical3A_36 = vector.broadcast %shift_right_logical3A_35 : i32 to vector<2000x128xi32>
    %shift_right_logical3A_37 = arith.shrui %add3A_34, %shift_right_logical3A_36 : vector<2000x128xi32>
    %shift_left3A = arith.constant 16 : i32
    %shift_left3A_38 = vector.broadcast %shift_left3A : i32 to vector<2000x128xi32>
    %shift_left3A_39 = arith.shli %shift_right_logical3A_37, %shift_left3A_38 : vector<2000x128xi32>
    %or3A = arith.ori %shift_left3A_39, %shift_right_logical3A_22 : vector<2000x128xi32>
    %swap3A = arith.constant 0 : index
    %swap3A_40 = arith.constant 0 : index
    %swap3A_41 = vector.load %arg3[%swap3A, %swap3A_40] : memref<2000x128xi32, #tpu.memory_space<vmem>>, vector<2000x128xi32>
    tpu.vector_store %arg3[%swap3A, %swap3A_40], %or3A {strides = array<i32>} : memref<2000x128xi32, #tpu.memory_space<vmem>>, vector<2000x128xi32>,
    return
  }
  func.func @transform_0(%arg0: i32) -> (i32, i32) {
    %c0_i32 = arith.constant 0 : i32
    %c0_i32_0 = arith.constant 0 : i32
    return %arg0, %c0_i32 : i32, i32
  }
  func.func @transform_1(%arg0: i32) -> (i32, i32, i32) {
    %c0_i32 = arith.constant 0 : i32
    %c0_i32_0 = arith.constant 0 : i32
    %c0_i32_1 = arith.constant 0 : i32
    %c0_i32_2 = arith.constant 0 : i32
    return %c0_i32, %c0_i32_0, %c0_i32_1 : i32, i32, i32
  }
  func.func @transform_2(%arg0: i32) -> (i32, i32) {
    %c0_i32 = arith.constant 0 : i32
    %c0_i32_0 = arith.constant 0 : i32
    return %arg0, %c0_i32 : i32, i32
  }
}

module attributes {stable_mosaic.version = 14 : i64} {
  func.func @_fin_body(%arg0: memref<2xf32, #tpu.memory_space<smem>>, %arg1: memref<32x128xf32, #tpu.memory_space<vmem>>, %arg2: memref<32x128xf32, #tpu.memory_space<vmem>>, %arg3: memref<32x128xf32, #tpu.memory_space<vmem>>) attributes {dimension_semantics = [], scalar_prefetch = 0 : i64, scratch_operands = 0 : i64, tpu.core_type = #tpu.core_type<tc>} {
    %get3A = arith.constant 0 : index
    %get3A_0 = arith.constant 0 : index
    %get3A_1 = vector.load %arg1[%get3A, %get3A_0] : memref<32x128xf32, #tpu.memory_space<vmem>>, vector<32x128xf32>
    %get3A_2 = arith.constant 1 : index
    %get3A_3 = memref.load %arg0[%get3A_2] : memref<2xf32, #tpu.memory_space<smem>>
    %get3A_4 = arith.constant 0 : index
    %get3A_5 = memref.load %arg0[%get3A_4] : memref<2xf32, #tpu.memory_space<smem>>
    %sub3A = arith.subf %get3A_3, %get3A_5 : f32
    %add3A = vector.broadcast %sub3A : f32 to vector<32x128xf32>
    %add3A_6 = arith.addf %get3A_1, %add3A : vector<32x128xf32>
    %abs3A = math.absf %add3A_6 : vector<32x128xf32>
    %neg3A = arith.constant 0.000000e+00 : f32
    %neg3A_7 = vector.broadcast %neg3A : f32 to vector<32x128xf32>
    %neg3A_8 = arith.subf %neg3A_7, %abs3A : vector<32x128xf32>
    %exp3A = math.exp %neg3A_8 : vector<32x128xf32>
    %log1p3A = math.log1p %exp3A : vector<32x128xf32>
    %max3A = arith.constant 0.000000e+00 : f32
    %max3A_9 = vector.broadcast %max3A : f32 to vector<32x128xf32>
    %max3A_10 = arith.maximumf %add3A_6, %max3A_9 : vector<32x128xf32>
    %add3A_11 = arith.addf %max3A_10, %log1p3A : vector<32x128xf32>
    %neg3A_12 = arith.constant 0.000000e+00 : f32
    %neg3A_13 = vector.broadcast %neg3A_12 : f32 to vector<32x128xf32>
    %neg3A_14 = arith.subf %neg3A_13, %add3A_11 : vector<32x128xf32>
    %swap3A = arith.constant 0 : index
    %swap3A_15 = arith.constant 0 : index
    %swap3A_16 = vector.load %arg2[%swap3A, %swap3A_15] : memref<32x128xf32, #tpu.memory_space<vmem>>, vector<32x128xf32>
    tpu.vector_store %arg2[%swap3A, %swap3A_15], %neg3A_14 {strides = array<i32>} : memref<32x128xf32, #tpu.memory_space<vmem>>, vector<32x128xf32>,
    %neg3A_17 = arith.constant 0.000000e+00 : f32
    %neg3A_18 = vector.broadcast %neg3A_17 : f32 to vector<32x128xf32>
    %neg3A_19 = arith.subf %neg3A_18, %add3A_6 : vector<32x128xf32>
    %max3A_20 = arith.constant 0.000000e+00 : f32
    %max3A_21 = vector.broadcast %max3A_20 : f32 to vector<32x128xf32>
    %max3A_22 = arith.maximumf %neg3A_19, %max3A_21 : vector<32x128xf32>
    %add3A_23 = arith.addf %max3A_22, %log1p3A : vector<32x128xf32>
    %neg3A_24 = arith.constant 0.000000e+00 : f32
    %neg3A_25 = vector.broadcast %neg3A_24 : f32 to vector<32x128xf32>
    %neg3A_26 = arith.subf %neg3A_25, %add3A_23 : vector<32x128xf32>
    %swap3A_27 = arith.constant 0 : index
    %swap3A_28 = arith.constant 0 : index
    %swap3A_29 = vector.load %arg3[%swap3A_27, %swap3A_28] : memref<32x128xf32, #tpu.memory_space<vmem>>, vector<32x128xf32>
    tpu.vector_store %arg3[%swap3A_27, %swap3A_28], %neg3A_26 {strides = array<i32>} : memref<32x128xf32, #tpu.memory_space<vmem>>, vector<32x128xf32>,
    return
  }
}

</mosaic_0001>

<sc_bundles>
// kernel: kernel.5.cloned.1.call-start
scs
__scs_entry_jumppad:
0x0: {  	(pc) =	sbr.rel $0x88, $3  }
0x1: {  	(tag) =	ssettag $0x0;
	lr =	simm.s32 $0x1  }
0x2: {  	[smem:$0x3F9D] =	sst lr;
	_ =	strace $0xD0000000  }
0x3: {  	_ = 	snop  }
0x4: {  	_ = 	snop  }
0x5: {  	_ = 	snop  }
0x6: {  	_ = 	snop  }
0x7: {  	_ = 	snop  }
__scs_overlays_trampoline_lowered:
0x8: {  	[smem:$0x3FAC] =	sst s0  }
0x9: {  	[smem:$0x3FAD] =	sst s1  }
0xa: {  	[smem:$0x3FAE] =	sst s2  }
0xb: {  	[smem:$0x3FAF] =	sst s3  }
0xc: {  	[smem:$0x3FB0] =	sst s4  }
0xd: {  	[smem:$0x3FB1] =	sst s5  }
0xe: {  	[smem:$0x3FB2] =	sst s6  }
0xf: {  	[smem:$0x3FB3] =	sst s7  }
0x10: {  	[smem:$0x3FB4] =	sst s8  }
0x11: {  	[smem:$0x3FB5] =	sst s9;
	s0 =	simm.s32 @!p0 $0x0  }
0x12: {  	s1 =	sld [smem:$0x3F9B];
	s0 =	simm.s32 @p0 $0x1  }
0x13: {  	[smem:$0x3FB6] =	sst s0;
	s0 =	simm.s32 @!p1 $0x0  }
0x14: {  	s2 =	sld [smem:$0x3F9A];
	s0 =	simm.s32 @p1 $0x1  }
0x15: {  	[smem:$0x3FB7] =	sst s0;
	s0 =	simm.s32 @!p2 $0x0  }
0x16: {  	s3 =	sld [smem:$0x3FDB];
	s0 =	simm.s32 @p2 $0x1  }
0x17: {  	s4 =	simm.s32 $0x1BF5;
	[smem:$0x3FB9] =	sst s0  }
0x18: {  	s0 =	sld [smem:$0x3F9C];
	_ =	swait.ge [sflag:s4], $0x0  }
0x19: {  	s7 =	sld [smem:$0x3F9D]  }
0x1a: {  	s8 =	sadd.s32 $0xFFFFE003, lr  }
0x1b: {  	s9 =	sadd.s32 $0xFFFFFEF7, lr;
	s5 =	simm.s32 $0xFFFFFFFF;
	p2 =	slt.u32 s8, $0xFFFFF086  }
0x1c: {  	p1 =	slt.u32 s9, $0xF7A;
	s5 =	simm.s32 @!p2 $0x0  }
0x1d: {  	s5 =	simm.s32 @p1 $0x1;
	p0 =	seq.s32 s7, s2  }
0x1e: {  	s7 =	smul.u32 @!p0 $0xF7A, s2;
	p2 =	seq.s32 @!p0 s5, $0x0  }
0x1f: {  	s9 =	smul.u32 $0xF7A, s1;
	s8 =	simm.s32 @!p0 $0x1BF5;
	p2 =	por !p2, p0  }
0x20: {  	[sflag:s8] =	ssyncset.s32 @!p0 $0xFFFFF086;
	s6 =	sadd.s32 @!p0 s3, s7;
	s7 =	simm.s32 @!p0 $0x108  }
0x21: {  	s3 =	sadd.s32 s3, s9;
	s6 =	sadd.s32 @!p0 $0x88, s6;
	s7 =	simm.s32 @p2 $0x1082  }
0x22: {  	[simem:s7], [sflag:s8] =	dma.local @!p0 [hbm:s6], $0xF7A  }
0x23: {  	s9 =	sor.u32 $0xD0000000, s2;
	s6 =	simm.s32 $0x108;
	_ =	swait.ge @!p0 [sflag:s8], $0x0  }
0x24: {  	s3 =	sadd.s32 $0x88, s3;
	s6 =	simm.s32 @!p1 $0x1082;
	[sflag:s4] =	ssyncset.s32 $0xFFFFF086  }
0x25: {  	[simem:s6], [sflag:s4] =	dma.local [hbm:s3], $0xF7A  }
0x26: {  	[smem:$0x3F9D] =	sst s1;
	(tag) =	ssettag s2;
	_ =	strace s9  }
0x27: {  	s1 =	sld [smem:$0x3FAD]  }
0x28: {  	s2 =	sld [smem:$0x3FAE]  }
0x29: {  	s4 =	sld [smem:$0x3FB0]  }
0x2a: {  	p0 =	seq.s32 s5, $0x0;
	s5 =	sld [smem:$0x3FB1]  }
0x2b: {  	s6 =	sld [smem:$0x3FB2]  }
0x2c: {  	s7 =	sld [smem:$0x3FB3]  }
0x2d: {  	s3 =	simm.s32 $0x108;
	s8 =	sld [smem:$0x3FB4]  }
0x2e: {  	s3 =	simm.s32 @!p0 $0x1082;
	s9 =	sld [smem:$0x3FB5]  }
0x2f: {  	lr =	sadd.s32 s0, s3;
	s0 =	sld [smem:$0x3FAC]  }
0x30: {  	s3 =	sld [smem:$0x3FAF]  }
0x31: {  	[smem:$0x3FB8] =	sst s10  }
0x32: {  	s10 =	sld [smem:$0x3FB6];
	_ =	sdelay $0x3  }
0x33: {  	p0 =	seq.s32 s10, $0x1;
	s10 =	sld [smem:$0x3FB8];
	_ =	sdelay $0x3  }
0x34: {  	[smem:$0x3FB8] =	sst s10  }
0x35: {  	s10 =	sld [smem:$0x3FB7];
	_ =	sdelay $0x3  }
0x36: {  	p1 =	seq.s32 s10, $0x1;
	s10 =	sld [smem:$0x3FB8];
	_ =	sdelay $0x3  }
0x37: {  	[smem:$0x3FB8] =	sst s10  }
0x38: {  	s10 =	sld [smem:$0x3FB9]  }
0x39: {  	_ = 	snop;
	(pc) =	sbr.ind lr, $3  }
0x3a: {  	_ = 	snop  }
0x3b: {  	_ = 	snop  }
0x3c: {  	p2 =	seq.s32 s10, $0x1;
	s10 =	sld [smem:$0x3FB8]  }
0x3d: {  	_ =	shalt  }
0x3e: {  	_ =	shalt  }
0x3f: {  	_ =	shalt  }
0x40: {  	_ =	shalt  }
0x41: {  	_ =	shalt  }
0x42: {  	_ =	shalt  }
0x43: {  	_ =	shalt  }
0x44: {  	_ =	shalt  }
0x45: {  	_ =	shalt  }
0x46: {  	_ =	shalt  }
0x47: {  	_ =	shalt  }
0x48: {  	_ =	shalt  }
0x49: {  	_ =	shalt  }
0x4a: {  	_ =	shalt  }
0x4b: {  	_ =	shalt  }
0x4c: {  	_ =	shalt  }
0x4d: {  	_ =	shalt  }
0x4e: {  	_ =	shalt  }
0x4f: {  	_ =	shalt  }
0x50: {  	_ =	shalt  }
0x51: {  	_ =	shalt  }
0x52: {  	_ =	shalt  }
0x53: {  	_ =	shalt  }
0x54: {  	_ =	shalt  }
0x55: {  	_ =	shalt  }
0x56: {  	_ =	shalt  }
0x57: {  	_ =	shalt  }
0x58: {  	_ =	shalt  }
0x59: {  	_ =	shalt  }
0x5a: {  	_ =	shalt  }
0x5b: {  	_ =	shalt  }
0x5c: {  	_ =	shalt  }
0x5d: {  	_ =	shalt  }
0x5e: {  	_ =	shalt  }
0x5f: {  	_ =	shalt  }
0x60: {  	_ =	shalt  }
0x61: {  	_ =	shalt  }
0x62: {  	_ =	shalt  }
0x63: {  	_ =	shalt  }
0x64: {  	_ =	shalt  }
0x65: {  	_ =	shalt  }
0x66: {  	_ =	shalt  }
0x67: {  	_ =	shalt  }
0x68: {  	_ =	shalt  }
0x69: {  	_ =	shalt  }
0x6a: {  	_ =	shalt  }
0x6b: {  	_ =	shalt  }
0x6c: {  	_ =	shalt  }
0x6d: {  	_ =	shalt  }
0x6e: {  	_ =	shalt  }
0x6f: {  	_ =	shalt  }
0x70: {  	_ =	shalt  }
0x71: {  	_ =	shalt  }
0x72: {  	_ =	shalt  }
0x73: {  	_ =	shalt  }
0x74: {  	_ =	shalt  }
0x75: {  	_ =	shalt  }
0x76: {  	_ =	shalt  }
0x77: {  	_ =	shalt  }
0x78: {  	_ =	shalt  }
0x79: {  	_ =	shalt  }
0x7a: {  	_ =	shalt  }
0x7b: {  	_ =	shalt  }
0x7c: {  	_ =	shalt  }
0x7d: {  	_ =	shalt  }
0x7e: {  	_ =	shalt  }
0x7f: {  	_ =	shalt  }
0x80: {  	_ =	shalt  }
0x81: {  	_ =	shalt  }
0x82: {  	_ =	shalt  }
0x83: {  	_ =	shalt  }
0x84: {  	_ =	shalt  }
0x85: {  	_ =	shalt  }
0x86: {  	_ =	shalt  }
0x87: {  	_ =	shalt  }
.Lfunc_end0:
.L_simem_size_0:
called_computation_lowered:
.L_overlay_start_0:
0x88: {  	s2 =	sld [smem:$0x3FD9]  }
0x89: {  	s3 =	sld [smem:$0x3FFE];
	_ =	sdelay $0x1  }
0x8a: {  	s1 =	srdreg.scid  }
0x8b: {  	s0 =	sand.u32 $0x1, s1  }
0x8c: {  	s17 =	sshll.u32 s0, $0xA;
	s2 =	sadd.s32 s3, s2  }
0x8d: {  	s2 =	sadd.s32 s2, s17  }
0x8e: {  	[smem:$0x3FC4] =	sst s2  }
0x8f: {  	_ = 	snop  }
0x90: {  	s2 =	sld [smem:$0x3FD0];
	(tm) =	ssettm $0x1  }
0x91: {  	s18 =	sld [smem:$0x3FFB];
	_ =	sdelay $0x3  }
0x92: {  	_ =	strace s18  }
0x93: {  	s3 =	sld [smem:$0x3FFC];
	_ =	sdelay $0x3  }
0x94: {  	_ =	strace s3  }
0x95: {  	s3 =	sld [smem:$0x3FFD];
	_ =	sdelay $0x3  }
0x96: {  	_ =	strace s3  }
0x97: {  	_ =	strace $0x8FFFFFFF  }
0x98: {  	s19 =	sld [smem:$0x3FDB];
	_ =	sdelay $0x1  }
0x99: {  	s4 =	simm.s32 $_scs_section_size  }
0x9a: {  	s5 =	simm.s32 $_size__tile_overlayer_lowered;
	s6 =	simm.s32 $_tile_overlayer_lowered  }
0x9b: {  	s22 =	simm.s32 $0x1BFF;
	s21 =	sshll.u32 s6, $0x1;
	s3 =	sadd.s32 s4, s19  }
0x9c: {  	s7 =	simm.s32 $0x0;
	s20 =	sshll.u32 s5, $0x1;
	s5 =	sadd.s32 s21, s3  }
0x9d: {  	[timem:s7], [sflag:s22] =	dma.local [hbm:s5], s20  }
0x9e: {  	_ =	swait.ge [sflag:s22], s20  }
0x9f: {  	s4 =	ssub.s32 $0x0, s20;
	[sflag:s22] =	ssyncset.done $0x0  }
0xa0: {  	[sflag:s22] =	ssyncadd.s32 s4;
	_ =	sdelay $0x1  }
0xa1: {  	s23 =	simm.s32 $0x1B8B  }
0xa2: {  	_ =	swait.ge [sflag:s23], $0x1  }
0xa3: {  	[sflag:s23] =	ssyncset.done $0x0  }
0xa4: {  	s25 =	simm.s32 $0x1B8E;
	s24 =	sld [smem:$0x3FFE];
	[sflag:s23] =	ssyncadd.s32 $0xFFFFFFFF  }
0xa5: {  	s26 =	simm.s32 $execute0_lowered;
	[smem:$0x3FD2] =	sst s25  }
0xa6: {  	s5 =	sshll.u32 s26, $0x1;
	_ =	strace $0x80000046;
	[dreg:$0x1] =	wrdreg $0xFFFFFFFF  }
0xa7: {  	s28 =	simm.s32 $_size_execute0_lowered;
	s3 =	sadd.s32 s3, s5;
	[dreg:$0x0] =	wrdreg $0x0  }
0xa8: {  	s5 =	sshll.u32 s28, $0x1;
	[dreg:$0x2] =	wrdreg s3  }
0xa9: {  	[dreg:$0x3] =	wrdreg s5  }
0xaa: {  	[dreg:$0x4] =	wrdreg $0xC0  }
0xab: {  	_ =	task [dreg:s7], $0x5FFFF  }
0xac: {  	[dreg:$0x1] =	wrdreg $0xFFFFFFFF  }
0xad: {  	[dreg:$0x0] =	wrdreg $0x60  }
0xae: {  	[dreg:$0x2] =	wrdreg s24  }
0xaf: {  	[dreg:$0x3] =	wrdreg s2  }
0xb0: {  	[dreg:$0x4] =	wrdreg $0x9  }
0xb1: {  	_ =	task.clear_ibuf [dreg:s7], $0x5FFFF;
	_ =	strace $0x90000046  }
0xb2: {  	s29 =	simm.s32 $0x9;
	_ =	strace $0x80000048  }
0xb3: {  	_ =	swait.ge [sflag:s29], $0x1  }
0xb4: {  	[sflag:s29] =	ssyncadd.s32 $0xFFFFFFFF  }
0xb5: {  	_ =	strace $0x90000048  }
0xb6: {  	_ =	sfence  }
0xb7: {  	s30 =	sld [smem:$0x0];
	_ =	sdelay $0x2  }
0xb8: {  	s31 =	sshll.u32 s1, $0xD;
	s1 =	sshrl.u32 s1, $0x2  }
0xb9: {  	s3 =	sand.u32 $0x4000, s31;
	s1 =	sadd.s32 s1, s30  }
0xba: {  	s0 =	sor.u32 s3, s0;
	s1 =	sshll.u32 s1, $0x11  }
0xbb: {  	s0 =	sor.u32 s1, s0  }
0xbc: {  	s0 =	sadd.s32 $0x8F2B, s0  }
0xbd: {  	[sflag:s0] =	ssyncadd.remote.s32 $0x1  }
0xbe: {  	_ =	sfence.sel $0xFFFF  }
0xbf: {  	[dreg:$0x0] =	wrdreg $0xFFFFFFFF;
	(pc) =	sbr.abs _section_cstart, $3  }
0xc0: {  	[dreg:$0x1] =	wrdreg $0xFFFFFFFF  }
0xc1: {  	_ =	task.clear_ibuf [dreg:s7], $0x2FFFF;
	_ =	strace $0x9FFFFFFF  }
0xc2: {  	(tm) =	ssettm $0x7FFFFFFF  }
0xc3: {  	_ =	shalt  }
tec
execute0_lowered:
.L_overlay_start_1:
0x0: {  	(tag) =	ssettag $0x1  }
0x1: {  	s1 =	srdreg.scid;
	s3 =	rddreg [dreg:$0x0]  }
0x2: {  	s0 =	stileid.u32;
	s5 =	rddreg [dreg:$0x1];
	s2 =	simm.s32 $0x0  }
0x3: {  	s9 =	simm.s32 $0x1;
	s10 =	simm.s32 $0xC800;
	s11 =	simm.s32 $0x0  }
0x4: {  	s4 =	sand.u32 $0x1, s1;
	s31 =	sshll.u32 s0, $0x1;
	s1 =	rddreg [dreg:$0x2]  }
0x5: {  	[smem:$0x7FF] =	sst s2;
	s6 =	sor.u32 s4, s31;
	s4 =	ssub.s32 $0x2, s4  }
0x6: {  	s7 =	smul.u32 $0xC80, s6;
	s8 =	sshrl.u32 s4, $0x1;
	s6 =	sshll.u32 s6, $0x4  }
0x7: {  	_ =	strace $0x80000047;
	s8 =	ssub.s32 s4, s8;
	s5 =	sadd.s32 s5, s6  }
0x8: {  	s7 =	sadd.s32 s7, s3;
	s3 =	sadd.s32 $0x187800, s3;
	s6 =	smax.u32 s8, $0x1  }
0x9: {  	s8 =	simm.s32 $0x80;
	s4 =	sadd.s32 $0xE00, s7;
	s7 =	simm.s32 $0x2  }
.LBB2_1:
0xa: {  	[tilespmem:s2], [sflag:$0x2] =	stream.linear.gather [hbm4b:s4+s2], $0x6400, $0x38;
	[tilespmem:$0xC880] =	vst v63  }
0xb: {  	_ =	swait.ge [sflag:s7], $0x6400  }
0xc: {  	[sflag:s7] =	ssyncset.done $0x0  }
0xd: {  	s12 =	simm.s32 $0x0;
	s13 =	simm.s32 $0x6400;
	[sflag:s7] =	ssyncadd.s32 $0xFFFF9C00  }
0xe: {  	[tilespmem:s13], [sflag:$0x1] =	stream.indirect.gather [hbm4b:s3+s8], $0x1, s12, s8, $0xb8;
	[tilespmem:$0xC880] =	vst v63  }
0xf: {  	s30 =	simm.s32 $0x6480;
	s31 =	simm.s32 $0x80  }
0x10: {  	[tilespmem:s30], [sflag:$0x1] =	stream.indirect.gather [hbm4b:s3+s8], $0x1, s31, s8, $0xb8;
	[tilespmem:$0xC880] =	vst v63  }
0x11: {  	s14 =	simm.s32 $0x100;
	s13 =	simm.s32 $0x6500  }
0x12: {  	[tilespmem:s13], [sflag:$0x1] =	stream.indirect.gather [hbm4b:s3+s8], $0x1, s14, s8, $0xb8;
	[tilespmem:$0xC880] =	vst v63  }
0x13: {  	s15 =	simm.s32 $0x6580;
	s16 =	simm.s32 $0x180  }
0x14: {  	[tilespmem:s15], [sflag:$0x1] =	stream.indirect.gather [hbm4b:s3+s8], $0x1, s16, s8, $0xb8;
	[tilespmem:$0xC880] =	vst v63  }
0x15: {  	s17 =	simm.s32 $0x6600;
	s18 =	simm.s32 $0x200  }
0x16: {  	[tilespmem:s17], [sflag:$0x1] =	stream.indirect.gather [hbm4b:s3+s8], $0x1, s18, s8, $0xb8;
	[tilespmem:$0xC880] =	vst v63  }
0x17: {  	s19 =	simm.s32 $0x6680;
	s20 =	simm.s32 $0x280  }
0x18: {  	[tilespmem:s19], [sflag:$0x1] =	stream.indirect.gather [hbm4b:s3+s8], $0x1, s20, s8, $0xb8;
	[tilespmem:$0xC880] =	vst v63  }
0x19: {  	s21 =	simm.s32 $0x6700;
	s22 =	simm.s32 $0x300  }
0x1a: {  	[tilespmem:s21], [sflag:$0x1] =	stream.indirect.gather [hbm4b:s3+s8], $0x1, s22, s8, $0xb8;
	[tilespmem:$0xC880] =	vst v63  }
0x1b: {  	s23 =	simm.s32 $0x6780;
	s24 =	simm.s32 $0x380  }
0x1c: {  	[tilespmem:s23], [sflag:$0x1] =	stream.indirect.gather [hbm4b:s3+s8], $0x1, s24, s8, $0xb8;
	[tilespmem:$0xC880] =	vst v63  }
0x1d: {  	s25 =	simm.s32 $0x6800;
	s26 =	simm.s32 $0x400  }
0x1e: {  	[tilespmem:s25], [sflag:$0x1] =	stream.indirect.gather [hbm4b:s3+s8], $0x1, s26, s8, $0xb8;
	[tilespmem:$0xC880] =	vst v63  }
0x1f: {  	s28 =	simm.s32 $0x6880;
	s29 =	simm.s32 $0x480  }
0x20: {  	[tilespmem:s28], [sflag:$0x1] =	stream.indirect.gather [hbm4b:s3+s8], $0x1, s29, s8, $0xb8;
	[tilespmem:$0xC880] =	vst v63  }
0x21: {  	s30 =	simm.s32 $0x6900;
	s31 =	simm.s32 $0x500  }
0x22: {  	[tilespmem:s30], [sflag:$0x1] =	stream.indirect.gather [hbm4b:s3+s8], $0x1, s31, s8, $0xb8;
	[tilespmem:$0xC880] =	vst v63  }
0x23: {  	s13 =	simm.s32 $0x6980;
	s14 =	simm.s32 $0x580  }
0x24: {  	[tilespmem:s13], [sflag:$0x1] =	stream.indirect.gather [hbm4b:s3+s8], $0x1, s14, s8, $0xb8;
	[tilespmem:$0xC880] =	vst v63  }
0x25: {  	s15 =	simm.s32 $0x6A00;
	s16 =	simm.s32 $0x600  }
0x26: {  	[tilespmem:s15], [sflag:$0x1] =	stream.indirect.gather [hbm4b:s3+s8], $0x1, s16, s8, $0xb8;
	[tilespmem:$0xC880] =	vst v63  }
0x27: {  	s17 =	simm.s32 $0x6A80;
	s18 =	simm.s32 $0x680  }
0x28: {  	[tilespmem:s17], [sflag:$0x1] =	stream.indirect.gather [hbm4b:s3+s8], $0x1, s18, s8, $0xb8;
	[tilespmem:$0xC880] =	vst v63  }
0x29: {  	s19 =	simm.s32 $0x6B00;
	s20 =	simm.s32 $0x700  }
0x2a: {  	[tilespmem:s19], [sflag:$0x1] =	stream.indirect.gather [hbm4b:s3+s8], $0x1, s20, s8, $0xb8;
	[tilespmem:$0xC880] =	vst v63  }
0x2b: {  	s21 =	simm.s32 $0x6B80;
	s22 =	simm.s32 $0x780  }
0x2c: {  	[tilespmem:s21], [sflag:$0x1] =	stream.indirect.gather [hbm4b:s3+s8], $0x1, s22, s8, $0xb8;
	[tilespmem:$0xC880] =	vst v63  }
0x2d: {  	s23 =	simm.s32 $0x6C00;
	s24 =	simm.s32 $0x800  }
0x2e: {  	[tilespmem:s23], [sflag:$0x1] =	stream.indirect.gather [hbm4b:s3+s8], $0x1, s24, s8, $0xb8;
	[tilespmem:$0xC880] =	vst v63  }
0x2f: {  	s25 =	simm.s32 $0x6C80;
	s26 =	simm.s32 $0x880  }
0x30: {  	[tilespmem:s25], [sflag:$0x1] =	stream.indirect.gather [hbm4b:s3+s8], $0x1, s26, s8, $0xb8;
	[tilespmem:$0xC880] =	vst v63  }
0x31: {  	s28 =	simm.s32 $0x6D00;
	s29 =	simm.s32 $0x900  }
0x32: {  	[tilespmem:s28], [sflag:$0x1] =	stream.indirect.gather [hbm4b:s3+s8], $0x1, s29, s8, $0xb8;
	[tilespmem:$0xC880] =	vst v63  }
0x33: {  	s30 =	simm.s32 $0x6D80;
	s31 =	simm.s32 $0x980  }
0x34: {  	[tilespmem:s30], [sflag:$0x1] =	stream.indirect.gather [hbm4b:s3+s8], $0x1, s31, s8, $0xb8;
	[tilespmem:$0xC880] =	vst v63  }
0x35: {  	_ =	swait.ge [sflag:s9], $0x80  }
0x36: {  	[sflag:s9] =	ssyncset.done $0x0  }
0x37: {  	[sflag:s9] =	ssyncadd.s32 $0xFFFFFF80  }
0x38: {  	_ =	swait.ge [sflag:s9], $0x80  }
0x39: {  	[sflag:s9] =	ssyncset.done $0x0  }
0x3a: {  	[sflag:s9] =	ssyncadd.s32 $0xFFFFFF80  }
0x3b: {  	_ =	swait.ge [sflag:s9], $0x80  }
0x3c: {  	[sflag:s9] =	ssyncset.done $0x0  }
0x3d: {  	[sflag:s9] =	ssyncadd.s32 $0xFFFFFF80  }
0x3e: {  	_ =	swait.ge [sflag:s9], $0x80  }
0x3f: {  	[sflag:s9] =	ssyncset.done $0x0  }
0x40: {  	[sflag:s9] =	ssyncadd.s32 $0xFFFFFF80  }
0x41: {  	_ =	swait.ge [sflag:s9], $0x80  }
0x42: {  	[sflag:s9] =	ssyncset.done $0x0  }
0x43: {  	[sflag:s9] =	ssyncadd.s32 $0xFFFFFF80  }
0x44: {  	_ =	swait.ge [sflag:s9], $0x80  }
0x45: {  	[sflag:s9] =	ssyncset.done $0x0  }
0x46: {  	[sflag:s9] =	ssyncadd.s32 $0xFFFFFF80  }
0x47: {  	_ =	swait.ge [sflag:s9], $0x80  }
0x48: {  	[sflag:s9] =	ssyncset.done $0x0  }
0x49: {  	[sflag:s9] =	ssyncadd.s32 $0xFFFFFF80  }
0x4a: {  	_ =	swait.ge [sflag:s9], $0x80  }
0x4b: {  	[sflag:s9] =	ssyncset.done $0x0  }
0x4c: {  	[sflag:s9] =	ssyncadd.s32 $0xFFFFFF80  }
0x4d: {  	_ =	swait.ge [sflag:s9], $0x80  }
0x4e: {  	[sflag:s9] =	ssyncset.done $0x0  }
0x4f: {  	[sflag:s9] =	ssyncadd.s32 $0xFFFFFF80  }
0x50: {  	_ =	swait.ge [sflag:s9], $0x80  }
0x51: {  	[sflag:s9] =	ssyncset.done $0x0  }
0x52: {  	[sflag:s9] =	ssyncadd.s32 $0xFFFFFF80  }
0x53: {  	_ =	swait.ge [sflag:s9], $0x80  }
0x54: {  	[sflag:s9] =	ssyncset.done $0x0  }
0x55: {  	[sflag:s9] =	ssyncadd.s32 $0xFFFFFF80  }
0x56: {  	_ =	swait.ge [sflag:s9], $0x80  }
0x57: {  	[sflag:s9] =	ssyncset.done $0x0  }
0x58: {  	[sflag:s9] =	ssyncadd.s32 $0xFFFFFF80  }
0x59: {  	_ =	swait.ge [sflag:s9], $0x80  }
0x5a: {  	[sflag:s9] =	ssyncset.done $0x0  }
0x5b: {  	[sflag:s9] =	ssyncadd.s32 $0xFFFFFF80  }
0x5c: {  	_ =	swait.ge [sflag:s9], $0x80  }
0x5d: {  	[sflag:s9] =	ssyncset.done $0x0  }
0x5e: {  	[sflag:s9] =	ssyncadd.s32 $0xFFFFFF80  }
0x5f: {  	_ =	swait.ge [sflag:s9], $0x80  }
0x60: {  	[sflag:s9] =	ssyncset.done $0x0  }
0x61: {  	[sflag:s9] =	ssyncadd.s32 $0xFFFFFF80  }
0x62: {  	_ =	swait.ge [sflag:s9], $0x80  }
0x63: {  	[sflag:s9] =	ssyncset.done $0x0  }
0x64: {  	[sflag:s9] =	ssyncadd.s32 $0xFFFFFF80  }
0x65: {  	_ =	swait.ge [sflag:s9], $0x80  }
0x66: {  	[sflag:s9] =	ssyncset.done $0x0  }
0x67: {  	[sflag:s9] =	ssyncadd.s32 $0xFFFFFF80  }
0x68: {  	_ =	swait.ge [sflag:s9], $0x80  }
0x69: {  	[sflag:s9] =	ssyncset.done $0x0  }
0x6a: {  	[sflag:s9] =	ssyncadd.s32 $0xFFFFFF80  }
0x6b: {  	_ =	swait.ge [sflag:s9], $0x80  }
0x6c: {  	[sflag:s9] =	ssyncset.done $0x0  }
0x6d: {  	[sflag:s9] =	ssyncadd.s32 $0xFFFFFF80  }
0x6e: {  	_ =	swait.ge [sflag:s9], $0x80  }
0x6f: {  	s14 =	simm.s32 $0xA00;
	s15 =	simm.s32 $0x5000;
	[sflag:s9] =	ssyncset.done $0x0  }
.LBB2_2:
0x70: {  	s16 =	sadd.s32 $0x6400, s14  }
0x71: {  	[sflag:s9] =	ssyncadd.s32 $0xFFFFFF80;
	s13 =	smov.u32 s15;
	s12 =	sadd.s32 $0x2800, s15  }
0x72: {  	[tilespmem:s16], [sflag:$0x1] =	stream.indirect.gather [hbm4b:s3+s8], $0x1, s14, s8, $0xb8;
	[tilespmem:$0xC880] =	vst v63  }
0x73: {  	p0 =	sne.s32 s15, $0x16800;
	s15 =	sadd.s32 $0x6480, s14;
	s16 =	sadd.s32 $0x80, s14  }
0x74: {  	[tilespmem:s15], [sflag:$0x1] =	stream.indirect.gather [hbm4b:s3+s8], $0x1, s16, s8, $0xb8;
	[tilespmem:$0xC880] =	vst v63  }
0x75: {  	s15 =	sadd.s32 $0x6500, s14;
	s16 =	sadd.s32 $0x100, s14  }
0x76: {  	[tilespmem:s15], [sflag:$0x1] =	stream.indirect.gather [hbm4b:s3+s8], $0x1, s16, s8, $0xb8;
	[tilespmem:$0xC880] =	vst v63  }
0x77: {  	s15 =	sadd.s32 $0x6580, s14;
	s16 =	sadd.s32 $0x180, s14  }
0x78: {  	[tilespmem:s15], [sflag:$0x1] =	stream.indirect.gather [hbm4b:s3+s8], $0x1, s16, s8, $0xb8;
	[tilespmem:$0xC880] =	vst v63  }
0x79: {  	s15 =	sadd.s32 $0x6600, s14;
	s16 =	sadd.s32 $0x200, s14  }
0x7a: {  	[tilespmem:s15], [sflag:$0x1] =	stream.indirect.gather [hbm4b:s3+s8], $0x1, s16, s8, $0xb8;
	[tilespmem:$0xC880] =	vst v63  }
0x7b: {  	s15 =	sadd.s32 $0x6680, s14;
	s16 =	sadd.s32 $0x280, s14  }
0x7c: {  	[tilespmem:s15], [sflag:$0x1] =	stream.indirect.gather [hbm4b:s3+s8], $0x1, s16, s8, $0xb8;
	[tilespmem:$0xC880] =	vst v63  }
0x7d: {  	s15 =	sadd.s32 $0x6700, s14;
	s16 =	sadd.s32 $0x300, s14  }
0x7e: {  	[tilespmem:s15], [sflag:$0x1] =	stream.indirect.gather [hbm4b:s3+s8], $0x1, s16, s8, $0xb8;
	[tilespmem:$0xC880] =	vst v63  }
0x7f: {  	s15 =	sadd.s32 $0x6780, s14;
	s16 =	sadd.s32 $0x380, s14  }
0x80: {  	[tilespmem:s15], [sflag:$0x1] =	stream.indirect.gather [hbm4b:s3+s8], $0x1, s16, s8, $0xb8;
	[tilespmem:$0xC880] =	vst v63  }
0x81: {  	s15 =	sadd.s32 $0x6800, s14;
	s16 =	sadd.s32 $0x400, s14  }
0x82: {  	[tilespmem:s15], [sflag:$0x1] =	stream.indirect.gather [hbm4b:s3+s8], $0x1, s16, s8, $0xb8;
	[tilespmem:$0xC880] =	vst v63  }
0x83: {  	s15 =	sadd.s32 $0x6880, s14;
	s16 =	sadd.s32 $0x480, s14  }
0x84: {  	[tilespmem:s15], [sflag:$0x1] =	stream.indirect.gather [hbm4b:s3+s8], $0x1, s16, s8, $0xb8;
	[tilespmem:$0xC880] =	vst v63  }
0x85: {  	s15 =	sadd.s32 $0x6900, s14;
	s16 =	sadd.s32 $0x500, s14  }
0x86: {  	[tilespmem:s15], [sflag:$0x1] =	stream.indirect.gather [hbm4b:s3+s8], $0x1, s16, s8, $0xb8;
	[tilespmem:$0xC880] =	vst v63  }
0x87: {  	s15 =	sadd.s32 $0x6980, s14;
	s16 =	sadd.s32 $0x580, s14  }
0x88: {  	[tilespmem:s15], [sflag:$0x1] =	stream.indirect.gather [hbm4b:s3+s8], $0x1, s16, s8, $0xb8;
	[tilespmem:$0xC880] =	vst v63  }
0x89: {  	s15 =	sadd.s32 $0x6A00, s14;
	s16 =	sadd.s32 $0x600, s14  }
0x8a: {  	[tilespmem:s15], [sflag:$0x1] =	stream.indirect.gather [hbm4b:s3+s8], $0x1, s16, s8, $0xb8;
	[tilespmem:$0xC880] =	vst v63  }
0x8b: {  	s15 =	sadd.s32 $0x6A80, s14;
	s16 =	sadd.s32 $0x680, s14  }
0x8c: {  	[tilespmem:s15], [sflag:$0x1] =	stream.indirect.gather [hbm4b:s3+s8], $0x1, s16, s8, $0xb8;
	[tilespmem:$0xC880] =	vst v63  }
0x8d: {  	s15 =	sadd.s32 $0x6B00, s14;
	s16 =	sadd.s32 $0x700, s14  }
0x8e: {  	[tilespmem:s15], [sflag:$0x1] =	stream.indirect.gather [hbm4b:s3+s8], $0x1, s16, s8, $0xb8;
	[tilespmem:$0xC880] =	vst v63  }
0x8f: {  	s15 =	sadd.s32 $0x6B80, s14;
	s16 =	sadd.s32 $0x780, s14  }
0x90: {  	[tilespmem:s15], [sflag:$0x1] =	stream.indirect.gather [hbm4b:s3+s8], $0x1, s16, s8, $0xb8;
	[tilespmem:$0xC880] =	vst v63  }
0x91: {  	s15 =	sadd.s32 $0x6C00, s14;
	s16 =	sadd.s32 $0x800, s14  }
0x92: {  	[tilespmem:s15], [sflag:$0x1] =	stream.indirect.gather [hbm4b:s3+s8], $0x1, s16, s8, $0xb8;
	[tilespmem:$0xC880] =	vst v63  }
0x93: {  	s15 =	sadd.s32 $0x6C80, s14;
	s16 =	sadd.s32 $0x880, s14  }
0x94: {  	[tilespmem:s15], [sflag:$0x1] =	stream.indirect.gather [hbm4b:s3+s8], $0x1, s16, s8, $0xb8;
	[tilespmem:$0xC880] =	vst v63  }
0x95: {  	s15 =	sadd.s32 $0x6D00, s14;
	s16 =	sadd.s32 $0x900, s14  }
0x96: {  	[tilespmem:s15], [sflag:$0x1] =	stream.indirect.gather [hbm4b:s3+s8], $0x1, s16, s8, $0xb8;
	[tilespmem:$0xC880] =	vst v63  }
0x97: {  	s15 =	sadd.s32 $0x6D80, s14;
	s14 =	sadd.s32 $0x980, s14  }
0x98: {  	[tilespmem:s15], [sflag:$0x1] =	stream.indirect.gather [hbm4b:s3+s8], $0x1, s14, s8, $0xb8;
	[tilespmem:$0xC880] =	vst v63  }
0x99: {  	_ =	swait.ge [sflag:s9], $0x80  }
0x9a: {  	[sflag:s9] =	ssyncset.done $0x0  }
0x9b: {  	[sflag:s9] =	ssyncadd.s32 $0xFFFFFF80  }
0x9c: {  	_ =	swait.ge [sflag:s9], $0x80  }
0x9d: {  	[sflag:s9] =	ssyncset.done $0x0  }
0x9e: {  	[sflag:s9] =	ssyncadd.s32 $0xFFFFFF80  }
0x9f: {  	_ =	swait.ge [sflag:s9], $0x80  }
0xa0: {  	[sflag:s9] =	ssyncset.done $0x0  }
0xa1: {  	[sflag:s9] =	ssyncadd.s32 $0xFFFFFF80  }
0xa2: {  	_ =	swait.ge [sflag:s9], $0x80  }
0xa3: {  	[sflag:s9] =	ssyncset.done $0x0  }
0xa4: {  	[sflag:s9] =	ssyncadd.s32 $0xFFFFFF80  }
0xa5: {  	_ =	swait.ge [sflag:s9], $0x80  }
0xa6: {  	[sflag:s9] =	ssyncset.done $0x0  }
0xa7: {  	[sflag:s9] =	ssyncadd.s32 $0xFFFFFF80  }
0xa8: {  	_ =	swait.ge [sflag:s9], $0x80  }
0xa9: {  	[sflag:s9] =	ssyncset.done $0x0  }
0xaa: {  	[sflag:s9] =	ssyncadd.s32 $0xFFFFFF80  }
0xab: {  	_ =	swait.ge [sflag:s9], $0x80  }
0xac: {  	[sflag:s9] =	ssyncset.done $0x0  }
0xad: {  	[sflag:s9] =	ssyncadd.s32 $0xFFFFFF80  }
0xae: {  	_ =	swait.ge [sflag:s9], $0x80  }
0xaf: {  	[sflag:s9] =	ssyncset.done $0x0  }
0xb0: {  	[sflag:s9] =	ssyncadd.s32 $0xFFFFFF80  }
0xb1: {  	_ =	swait.ge [sflag:s9], $0x80  }
0xb2: {  	[sflag:s9] =	ssyncset.done $0x0  }
0xb3: {  	[sflag:s9] =	ssyncadd.s32 $0xFFFFFF80  }
0xb4: {  	_ =	swait.ge [sflag:s9], $0x80  }
0xb5: {  	[sflag:s9] =	ssyncset.done $0x0  }
0xb6: {  	[sflag:s9] =	ssyncadd.s32 $0xFFFFFF80  }
0xb7: {  	_ =	swait.ge [sflag:s9], $0x80  }
0xb8: {  	[sflag:s9] =	ssyncset.done $0x0  }
0xb9: {  	[sflag:s9] =	ssyncadd.s32 $0xFFFFFF80  }
0xba: {  	_ =	swait.ge [sflag:s9], $0x80  }
0xbb: {  	[sflag:s9] =	ssyncset.done $0x0  }
0xbc: {  	[sflag:s9] =	ssyncadd.s32 $0xFFFFFF80  }
0xbd: {  	_ =	swait.ge [sflag:s9], $0x80  }
0xbe: {  	[sflag:s9] =	ssyncset.done $0x0  }
0xbf: {  	[sflag:s9] =	ssyncadd.s32 $0xFFFFFF80  }
0xc0: {  	_ =	swait.ge [sflag:s9], $0x80  }
0xc1: {  	[sflag:s9] =	ssyncset.done $0x0  }
0xc2: {  	[sflag:s9] =	ssyncadd.s32 $0xFFFFFF80  }
0xc3: {  	_ =	swait.ge [sflag:s9], $0x80  }
0xc4: {  	[sflag:s9] =	ssyncset.done $0x0  }
0xc5: {  	[sflag:s9] =	ssyncadd.s32 $0xFFFFFF80  }
0xc6: {  	_ =	swait.ge [sflag:s9], $0x80  }
0xc7: {  	[sflag:s9] =	ssyncset.done $0x0  }
0xc8: {  	[sflag:s9] =	ssyncadd.s32 $0xFFFFFF80  }
0xc9: {  	_ =	swait.ge [sflag:s9], $0x80  }
0xca: {  	[sflag:s9] =	ssyncset.done $0x0  }
0xcb: {  	[sflag:s9] =	ssyncadd.s32 $0xFFFFFF80  }
0xcc: {  	_ =	swait.ge [sflag:s9], $0x80  }
0xcd: {  	[sflag:s9] =	ssyncset.done $0x0  }
0xce: {  	[sflag:s9] =	ssyncadd.s32 $0xFFFFFF80  }
.Ltmp0:
0xcf: {  	_ =	swait.ge [sflag:s9], $0x80;
	(pc) =	sbr.rel @p0 .LBB2_2-.Ltmp0, $4  }
0xd0: {  	[sflag:s9] =	ssyncset.done $0x0  }
0xd1: {  	[sflag:s9] =	ssyncadd.s32 $0xFFFFFF80  }
0xd2: {  	_ =	swait.ge [sflag:s9], $0x80  }
0xd3: {  	s14 =	sshra.s32 s13, $0x2;
	s15 =	smov.u32 s12;
	[sflag:s9] =	ssyncset.done $0x0  }
0xd4: {  	s12 =	sadd.s32 $0x6400, s14;
	[sflag:s9] =	ssyncadd.s32 $0xFFFFFF80  }
0xd5: {  	[tilespmem:s12], [sflag:$0x1] =	stream.indirect.gather [hbm4b:s3+s8], $0x1, s14, s8, $0xb8;
	[tilespmem:$0xC880] =	vst v63  }
0xd6: {  	s26 =	sadd.s32 $0x6480, s14;
	s13 =	sadd.s32 $0x80, s14  }
0xd7: {  	[tilespmem:s26], [sflag:$0x1] =	stream.indirect.gather [hbm4b:s3+s8], $0x1, s13, s8, $0xb8;
	[tilespmem:$0xC880] =	vst v63  }
0xd8: {  	s28 =	sadd.s32 $0x6500, s14;
	s29 =	sadd.s32 $0x100, s14  }
0xd9: {  	[tilespmem:s28], [sflag:$0x1] =	stream.indirect.gather [hbm4b:s3+s8], $0x1, s29, s8, $0xb8;
	[tilespmem:$0xC880] =	vst v63  }
0xda: {  	s30 =	sadd.s32 $0x6580, s14;
	s31 =	sadd.s32 $0x180, s14  }
0xdb: {  	[tilespmem:s30], [sflag:$0x1] =	stream.indirect.gather [hbm4b:s3+s8], $0x1, s31, s8, $0xb8;
	[tilespmem:$0xC880] =	vst v63  }
0xdc: {  	s15 =	sadd.s32 $0x6600, s14;
	s16 =	sadd.s32 $0x200, s14  }
0xdd: {  	[tilespmem:s15], [sflag:$0x1] =	stream.indirect.gather [hbm4b:s3+s8], $0x1, s16, s8, $0xb8;
	[tilespmem:$0xC880] =	vst v63  }
0xde: {  	s17 =	sadd.s32 $0x6680, s14;
	s18 =	sadd.s32 $0x280, s14  }
0xdf: {  	[tilespmem:s17], [sflag:$0x1] =	stream.indirect.gather [hbm4b:s3+s8], $0x1, s18, s8, $0xb8;
	[tilespmem:$0xC880] =	vst v63  }
0xe0: {  	s19 =	sadd.s32 $0x6700, s14;
	s20 =	sadd.s32 $0x300, s14  }
0xe1: {  	[tilespmem:s19], [sflag:$0x1] =	stream.indirect.gather [hbm4b:s3+s8], $0x1, s20, s8, $0xb8;
	[tilespmem:$0xC880] =	vst v63  }
0xe2: {  	s21 =	sadd.s32 $0x6780, s14;
	s22 =	sadd.s32 $0x380, s14  }
0xe3: {  	[tilespmem:s21], [sflag:$0x1] =	stream.indirect.gather [hbm4b:s3+s8], $0x1, s22, s8, $0xb8;
	[tilespmem:$0xC880] =	vst v63  }
0xe4: {  	s23 =	sadd.s32 $0x6800, s14;
	s24 =	sadd.s32 $0x400, s14  }
0xe5: {  	[tilespmem:s23], [sflag:$0x1] =	stream.indirect.gather [hbm4b:s3+s8], $0x1, s24, s8, $0xb8;
	[tilespmem:$0xC880] =	vst v63  }
0xe6: {  	s25 =	sadd.s32 $0x6880, s14;
	s26 =	sadd.s32 $0x480, s14  }
0xe7: {  	[tilespmem:s25], [sflag:$0x1] =	stream.indirect.gather [hbm4b:s3+s8], $0x1, s26, s8, $0xb8;
	[tilespmem:$0xC880] =	vst v63  }
0xe8: {  	s28 =	sadd.s32 $0x6900, s14;
	s29 =	sadd.s32 $0x500, s14  }
0xe9: {  	[tilespmem:s28], [sflag:$0x1] =	stream.indirect.gather [hbm4b:s3+s8], $0x1, s29, s8, $0xb8;
	[tilespmem:$0xC880] =	vst v63  }
0xea: {  	s30 =	sadd.s32 $0x6980, s14;
	s31 =	sadd.s32 $0x580, s14  }
0xeb: {  	[tilespmem:s30], [sflag:$0x1] =	stream.indirect.gather [hbm4b:s3+s8], $0x1, s31, s8, $0xb8;
	[tilespmem:$0xC880] =	vst v63  }
0xec: {  	s15 =	sadd.s32 $0x6A00, s14;
	s16 =	sadd.s32 $0x600, s14  }
0xed: {  	[tilespmem:s15], [sflag:$0x1] =	stream.indirect.gather [hbm4b:s3+s8], $0x1, s16, s8, $0xb8;
	[tilespmem:$0xC880] =	vst v63  }
0xee: {  	s17 =	sadd.s32 $0x6A80, s14;
	s18 =	sadd.s32 $0x680, s14  }
0xef: {  	[tilespmem:s17], [sflag:$0x1] =	stream.indirect.gather [hbm4b:s3+s8], $0x1, s18, s8, $0xb8;
	[tilespmem:$0xC880] =	vst v63  }
0xf0: {  	s19 =	sadd.s32 $0x6B00, s14;
	s20 =	sadd.s32 $0x700, s14  }
0xf1: {  	[tilespmem:s19], [sflag:$0x1] =	stream.indirect.gather [hbm4b:s3+s8], $0x1, s20, s8, $0xb8;
	[tilespmem:$0xC880] =	vst v63  }
0xf2: {  	s21 =	sadd.s32 $0x6B80, s14;
	s22 =	sadd.s32 $0x780, s14  }
0xf3: {  	[tilespmem:s21], [sflag:$0x1] =	stream.indirect.gather [hbm4b:s3+s8], $0x1, s22, s8, $0xb8;
	[tilespmem:$0xC880] =	vst v63  }
0xf4: {  	s23 =	sadd.s32 $0x6C00, s14;
	s24 =	sadd.s32 $0x800, s14  }
0xf5: {  	[tilespmem:s23], [sflag:$0x1] =	stream.indirect.gather [hbm4b:s3+s8], $0x1, s24, s8, $0xb8;
	[tilespmem:$0xC880] =	vst v63  }
0xf6: {  	s25 =	sadd.s32 $0x6C80, s14;
	s26 =	sadd.s32 $0x880, s14  }
0xf7: {  	[tilespmem:s25], [sflag:$0x1] =	stream.indirect.gather [hbm4b:s3+s8], $0x1, s26, s8, $0xb8;
	[tilespmem:$0xC880] =	vst v63  }
0xf8: {  	s28 =	sadd.s32 $0x6D00, s14;
	s29 =	sadd.s32 $0x900, s14  }
0xf9: {  	[tilespmem:s28], [sflag:$0x1] =	stream.indirect.gather [hbm4b:s3+s8], $0x1, s29, s8, $0xb8;
	[tilespmem:$0xC880] =	vst v63  }
0xfa: {  	s30 =	sadd.s32 $0x6D80, s14;
	s31 =	sadd.s32 $0x980, s14  }
0xfb: {  	[tilespmem:s30], [sflag:$0x1] =	stream.indirect.gather [hbm4b:s3+s8], $0x1, s31, s8, $0xb8;
	[tilespmem:$0xC880] =	vst v63  }
0xfc: {  	_ =	swait.ge [sflag:s9], $0x80  }
0xfd: {  	[sflag:s9] =	ssyncset.done $0x0  }
0xfe: {  	[sflag:s9] =	ssyncadd.s32 $0xFFFFFF80  }
0xff: {  	_ =	swait.ge [sflag:s9], $0x80  }
0x100: {  	[sflag:s9] =	ssyncset.done $0x0  }
0x101: {  	[sflag:s9] =	ssyncadd.s32 $0xFFFFFF80  }
0x102: {  	_ =	swait.ge [sflag:s9], $0x80  }
0x103: {  	[sflag:s9] =	ssyncset.done $0x0  }
0x104: {  	[sflag:s9] =	ssyncadd.s32 $0xFFFFFF80  }
0x105: {  	_ =	swait.ge [sflag:s9], $0x80  }
0x106: {  	[sflag:s9] =	ssyncset.done $0x0  }
0x107: {  	[sflag:s9] =	ssyncadd.s32 $0xFFFFFF80  }
0x108: {  	_ =	swait.ge [sflag:s9], $0x80  }
0x109: {  	[sflag:s9] =	ssyncset.done $0x0  }
0x10a: {  	[sflag:s9] =	ssyncadd.s32 $0xFFFFFF80  }
0x10b: {  	_ =	swait.ge [sflag:s9], $0x80  }
0x10c: {  	[sflag:s9] =	ssyncset.done $0x0  }
0x10d: {  	[sflag:s9] =	ssyncadd.s32 $0xFFFFFF80  }
0x10e: {  	_ =	swait.ge [sflag:s9], $0x80  }
0x10f: {  	[sflag:s9] =	ssyncset.done $0x0  }
0x110: {  	[sflag:s9] =	ssyncadd.s32 $0xFFFFFF80  }
0x111: {  	_ =	swait.ge [sflag:s9], $0x80  }
0x112: {  	[sflag:s9] =	ssyncset.done $0x0  }
0x113: {  	[sflag:s9] =	ssyncadd.s32 $0xFFFFFF80  }
0x114: {  	_ =	swait.ge [sflag:s9], $0x80  }
0x115: {  	[sflag:s9] =	ssyncset.done $0x0  }
0x116: {  	[sflag:s9] =	ssyncadd.s32 $0xFFFFFF80  }
0x117: {  	_ =	swait.ge [sflag:s9], $0x80  }
0x118: {  	[sflag:s9] =	ssyncset.done $0x0  }
0x119: {  	[sflag:s9] =	ssyncadd.s32 $0xFFFFFF80  }
0x11a: {  	_ =	swait.ge [sflag:s9], $0x80  }
0x11b: {  	[sflag:s9] =	ssyncset.done $0x0  }
0x11c: {  	[sflag:s9] =	ssyncadd.s32 $0xFFFFFF80  }
0x11d: {  	_ =	swait.ge [sflag:s9], $0x80  }
0x11e: {  	[sflag:s9] =	ssyncset.done $0x0  }
0x11f: {  	[sflag:s9] =	ssyncadd.s32 $0xFFFFFF80  }
0x120: {  	_ =	swait.ge [sflag:s9], $0x80  }
0x121: {  	[sflag:s9] =	ssyncset.done $0x0  }
0x122: {  	[sflag:s9] =	ssyncadd.s32 $0xFFFFFF80  }
0x123: {  	_ =	swait.ge [sflag:s9], $0x80  }
0x124: {  	[sflag:s9] =	ssyncset.done $0x0  }
0x125: {  	[sflag:s9] =	ssyncadd.s32 $0xFFFFFF80  }
0x126: {  	_ =	swait.ge [sflag:s9], $0x80  }
0x127: {  	[sflag:s9] =	ssyncset.done $0x0  }
0x128: {  	[sflag:s9] =	ssyncadd.s32 $0xFFFFFF80  }
0x129: {  	_ =	swait.ge [sflag:s9], $0x80  }
0x12a: {  	[sflag:s9] =	ssyncset.done $0x0  }
0x12b: {  	[sflag:s9] =	ssyncadd.s32 $0xFFFFFF80  }
0x12c: {  	_ =	swait.ge [sflag:s9], $0x80  }
0x12d: {  	[sflag:s9] =	ssyncset.done $0x0  }
0x12e: {  	[sflag:s9] =	ssyncadd.s32 $0xFFFFFF80  }
0x12f: {  	_ =	swait.ge [sflag:s9], $0x80  }
0x130: {  	[sflag:s9] =	ssyncset.done $0x0  }
0x131: {  	[sflag:s9] =	ssyncadd.s32 $0xFFFFFF80  }
0x132: {  	_ =	swait.ge [sflag:s9], $0x80  }
0x133: {  	[sflag:s9] =	ssyncset.done $0x0  }
0x134: {  	[sflag:s9] =	ssyncadd.s32 $0xFFFFFF80  }
0x135: {  	_ =	swait.ge [sflag:s9], $0x80  }
0x136: {  	[sflag:s9] =	ssyncset.done $0x0  }
0x137: {  	s12 =	simm.s32 $0x0;
	[sflag:s9] =	ssyncadd.s32 $0xFFFFFF80  }
0x138: {  	v0 =	vld [tilespmem:s12+$0x6470]  }
0x139: {  	v1 =	vld [tilespmem:s12+$0x6400]  }
0x13a: {  	v3 =	vld [tilespmem:s12+$0x6410];
	_ =	sdelay $0x1  }
0x13b: {  	v9 =	vld [tilespmem:s12+$0x6420]  }
0x13c: {  	v2 =	vimm.f32 $0.0e+00;
	v6 =	vimm.f32 $0.0e+00;
	v8 =	vld [tilespmem:s12+$0x6430]  }
0x13d: {  	v7 =	vimm.f32 $0.0e+00;
	v5 =	vimm.f32 $0.0e+00;
	v10 =	vld [tilespmem:s12+$0x6440];
	v0 =	vshll.u32 v0, $0x10  }
0x13e: {  	v11 =	vld [tilespmem:s12+$0x6450];
	v4 =	vshll.u32 v1, $0x10;
	v13 =	vshll.u32 v3, $0x10;
	v3 =	vimm.f32 $0.0e+00  }
0x13f: {  	s13 =	simm.s32 $0x80;
	s14 =	simm.s32 $0x400;
	v12 =	vld [tilespmem:s12+$0x6460];
	v1 =	vadd.f32 v0, v2;
	v0 =	vadd.f32 v4, v2;
	v4 =	vimm.f32 $0.0e+00  }
.LBB2_4:
0x140: {  	p0 =	sne.s32 s14, $0xFE00;
	v14 =	vld [tilespmem:s13+$0x6470];
	v2 =	vadd.f32 v13, v2;
	v9 =	vshll.u32 v9, $0x10  }
0x141: {  	v13 =	vld [tilespmem:s13+$0x6400];
	v6 =	vadd.f32 v9, v6;
	v8 =	vshll.u32 v8, $0x10  }
0x142: {  	v15 =	vld [tilespmem:s13+$0x6410];
	v4 =	vadd.f32 v8, v4;
	v8 =	vshll.u32 v10, $0x10  }
.Ltmp1:
0x143: {  	v9 =	vld [tilespmem:s13+$0x6420];
	v7 =	vadd.f32 v8, v7;
	v10 =	vshll.u32 v11, $0x10;
	(pc) =	sbr.rel @p0 .LBB2_4-.Ltmp1, $4  }
0x144: {  	v8 =	vld [tilespmem:s13+$0x6430];
	v5 =	vadd.f32 v10, v5;
	v11 =	vshll.u32 v12, $0x10  }
0x145: {  	v10 =	vld [tilespmem:s13+$0x6440];
	v12 =	vshll.u32 v14, $0x10;
	v3 =	vadd.f32 v11, v3  }
0x146: {  	v13 =	vshll.u32 v13, $0x10;
	v11 =	vld [tilespmem:s13+$0x6450];
	v1 =	vadd.f32 v12, v1  }
0x147: {  	v0 =	vadd.f32 v13, v0;
	v13 =	vshll.u32 v15, $0x10;
	v12 =	vld [tilespmem:s13+$0x6460];
	s13 =	sshra.s32 s14, $0x2;
	s14 =	sadd.s32 $0x200, s14  }
0x148: {  	v14 =	vld [tilespmem:s13+$0x6470]  }
0x149: {  	v15 =	vld [tilespmem:s13+$0x6400]  }
0x14a: {  	v16 =	vld [tilespmem:s13+$0x6410]  }
0x14b: {  	v17 =	vld [tilespmem:s13+$0x6420]  }
0x14c: {  	v18 =	vld [tilespmem:s13+$0x6430]  }
0x14d: {  	v2 =	vadd.f32 v13, v2;
	v9 =	vshll.u32 v9, $0x10;
	v13 =	vld [tilespmem:s13+$0x6440]  }
0x14e: {  	v19 =	vld [tilespmem:s13+$0x6450];
	v6 =	vadd.f32 v9, v6;
	v8 =	vshll.u32 v8, $0x10;
	v9 =	vshll.u32 v10, $0x10  }
0x14f: {  	v22 =	vld [tilespmem:s12+$0xA400];
	v8 =	vadd.f32 v8, v4;
	v7 =	vadd.f32 v9, v7;
	v4 =	vshll.u32 v11, $0x10  }
0x150: {  	v9 =	vld [tilespmem:s13+$0x6460];
	v20 =	vadd.f32 v4, v5;
	v4 =	vshll.u32 v12, $0x10;
	v5 =	vshll.u32 v14, $0x10  }
0x151: {  	v14 =	vld [tilespmem:s12+$0xA470];
	v21 =	vadd.f32 v4, v3;
	v3 =	vshll.u32 v15, $0x10;
	v15 =	vadd.f32 v5, v1  }
0x152: {  	v63 =	vld [tilespmem:s12+$0xA410];
	v23 =	vadd.f32 v3, v0;
	v0 =	vshll.u32 v16, $0x10;
	v1 =	vshll.u32 v17, $0x10  }
0x153: {  	v10 =	vld [tilespmem:s12+$0xA420];
	v3 =	vadd.f32 v0, v2;
	v4 =	vadd.f32 v1, v6;
	v0 =	vshll.u32 v18, $0x10  }
0x154: {  	v11 =	vld [tilespmem:s12+$0xA430];
	v1 =	vshll.u32 v19, $0x10;
	v5 =	vadd.f32 v0, v8;
	v0 =	vshll.u32 v13, $0x10  }
0x155: {  	v12 =	vld [tilespmem:s12+$0xA440];
	v2 =	vadd.f32 v1, v20;
	v6 =	vadd.f32 v0, v7;
	v0 =	vshll.u32 v9, $0x10  }
0x156: {  	v8 =	vld [tilespmem:s12+$0xA450];
	v7 =	vand.u32 $0xFFFF0000, v22;
	v1 =	vadd.f32 v0, v21;
	v0 =	vand.u32 $0xFFFF0000, v14  }
0x157: {  	s14 =	simm.s32 $0x400;
	s13 =	simm.s32 $0x80;
	v13 =	vand.u32 $0xFFFF0000, v63;
	v9 =	vld [tilespmem:s12+$0xA460];
	v7 =	vadd.f32 v7, v23;
	v0 =	vadd.f32 v0, v15  }
.LBB2_6:
0x158: {  	p0 =	sne.s32 s14, $0x8E00;
	v14 =	vld [tilespmem:s13+$0xA470];
	v3 =	vadd.f32 v13, v3;
	v10 =	vand.u32 $0xFFFF0000, v10  }
0x159: {  	v13 =	vld [tilespmem:s13+$0xA400];
	v4 =	vadd.f32 v10, v4;
	v10 =	vand.u32 $0xFFFF0000, v11  }
0x15a: {  	v15 =	vld [tilespmem:s13+$0xA410];
	v5 =	vadd.f32 v10, v5;
	v11 =	vand.u32 $0xFFFF0000, v12  }
.Ltmp2:
0x15b: {  	v10 =	vld [tilespmem:s13+$0xA420];
	v6 =	vadd.f32 v11, v6;
	v8 =	vand.u32 $0xFFFF0000, v8;
	(pc) =	sbr.rel @p0 .LBB2_6-.Ltmp2, $4  }
0x15c: {  	v11 =	vld [tilespmem:s13+$0xA430];
	v2 =	vadd.f32 v8, v2;
	v8 =	vand.u32 $0xFFFF0000, v9  }
0x15d: {  	v12 =	vld [tilespmem:s13+$0xA440];
	v9 =	vand.u32 $0xFFFF0000, v14;
	v1 =	vadd.f32 v8, v1  }
0x15e: {  	v13 =	vand.u32 $0xFFFF0000, v13;
	v8 =	vld [tilespmem:s13+$0xA450];
	v0 =	vadd.f32 v9, v0  }
0x15f: {  	v7 =	vadd.f32 v13, v7;
	v13 =	vand.u32 $0xFFFF0000, v15;
	v9 =	vld [tilespmem:s13+$0xA460];
	s13 =	sshra.s32 s14, $0x2;
	s14 =	sadd.s32 $0x200, s14  }
0x160: {  	v14 =	vld [tilespmem:s13+$0xA400]  }
0x161: {  	v15 =	vld [tilespmem:s13+$0xA410]  }
0x162: {  	v16 =	vld [tilespmem:s13+$0xA420]  }
0x163: {  	v17 =	vld [tilespmem:s13+$0xA430]  }
0x164: {  	v10 =	vand.u32 $0xFFFF0000, v10;
	v3 =	vadd.f32 v13, v3;
	v49 =	vld [tilespmem:s13+$0xA440];
	v48 =	vand.u32 $0xFFFF0000, v11  }
0x165: {  	v52 =	vld [tilespmem:s13+$0xA450];
	v4 =	vadd.f32 v10, v4;
	v5 =	vadd.f32 v48, v5;
	v51 =	vand.u32 $0xFFFF0000, v14  }
0x166: {  	v55 =	vld [tilespmem:s13+$0xA470];
	v50 =	vand.u32 $0xFFFF0000, v12;
	v53 =	vand.u32 $0xFFFF0000, v15;
	v7 =	vadd.f32 v51, v7  }
0x167: {  	v54 =	vld [tilespmem:s13+$0xA460];
	v6 =	vadd.f32 v50, v6;
	v56 =	vand.u32 $0xFFFF0000, v16;
	v3 =	vadd.f32 v53, v3  }
0x168: {  	v8 =	vand.u32 $0xFFFF0000, v8;
	v57 =	vand.u32 $0xFFFF0000, v17;
	v4 =	vadd.f32 v56, v4;
	[tilespmem:$0xC800] =	vst v7  }
0x169: {  	v2 =	vadd.f32 v8, v2;
	v59 =	vand.u32 $0xFFFF0000, v49;
	v5 =	vadd.f32 v57, v5;
	[tilespmem:$0xC810] =	vst v3  }
0x16a: {  	v58 =	vand.u32 $0xFFFF0000, v9;
	v61 =	vand.u32 $0xFFFF0000, v52;
	v60 =	vadd.f32 v59, v6;
	[tilespmem:$0xC820] =	vst v4  }
0x16b: {  	v1 =	vadd.f32 v58, v1;
	v63 =	vand.u32 $0xFFFF0000, v55;
	v2 =	vadd.f32 v61, v2;
	[tilespmem:$0xC830] =	vst v5  }
0x16c: {  	v62 =	vand.u32 $0xFFFF0000, v54;
	v0 =	vadd.f32 v63, v0;
	[tilespmem:$0xC840] =	vst v60  }
0x16d: {  	s11 =	sadd.s32 $0x1, s11;
	v1 =	vadd.f32 v62, v1;
	[tilespmem:$0xC850] =	vst v2  }
0x16e: {  	p0 =	sne.s32 s11, s6;
	[tilespmem:$0xC870] =	vst v0  }
.Ltmp3:
0x16f: {  	[tilespmem:$0xC860] =	vst v1;
	(pc) =	sbr.rel @p0 .LBB2_1-.Ltmp3, $4  }
0x170: {  	[hbm4b:s5+s2] =	stream.linear.scatter [tilespmem:s10], [sflag:$0x2], $0x80, $0x38;
	[tilespmem:$0xC880] =	vst v63  }
0x171: {  	_ =	swait.ge [sflag:s7], $0x80  }
0x172: {  	[sflag:s7] =	ssyncset.done $0x0  }
0x173: {  	[sflag:s7] =	ssyncadd.s32 $0xFFFFFF80  }
0x174: {  	_ =	sfence.sel $0x180000  }
0x175: {  	[bflag:$0x0] =	sbarrier.arrive $0xFFFF  }
0x176: {  	p0 =	sne.s32 s0, $0x0;
	_ =	strace $0x90000047  }
0x177: {  	s0 =	sadd.s32 @!p0 $0x100000, s1;
	[bflag:$0x2] =	sbarrier.arrive $0xFFFF  }
0x178: {  	[sflag:s0] =	ssyncadd.tile.s32 @!p0 $0x1;
	_ =	shalt  }
.Lfunc_end2:
_tile_overlayer_lowered:
.L_overlay_start_2:
0x179: {  	(tag) =	ssettag $0x2  }
0x17a: {  	s0 =	rddreg [dreg:$0x0];
	s2 =	stileid.u32  }
0x17b: {  	s1 =	rddreg [dreg:$0x1];
	p0 =	sne.s32 s2, $0x0  }
0x17c: {  	s3 =	rddreg [dreg:$0x2];
	[bflag:$0x3] =	sbarrier.arrive $0xFFFF;
	s2 =	simm.s32 @!p0 $0x1C02  }
0x17d: {  	[timem:s3], [sflag:s2] =	dma.local @!p0 [hbm:s0], s1  }
0x17e: {  	s0 =	simm.s32 @!p0 $0x2  }
0x17f: {  	_ =	swait.ge @!p0 [sflag:s0], s1  }
0x180: {  	s1 =	ssub.s32 @!p0 $0x0, s1;
	[sflag:s0] =	ssyncset.done @!p0 $0x0  }
0x181: {  	[sflag:s0] =	ssyncadd.s32 @!p0 s1  }
0x182: {  	[bflag:$0x3] =	sbarrier.arrive $0xFFFF  }
0x183: {  	_ =	shalt  }

</sc_bundles>
